<compile_context>
chip_gen: v7x
topology: tpu7x:2x2x1
jax: 0.10.2.dev20260603
libtpu: 0.0.44.dev20260713+nightly
codegen_flags: <defaults>
</compile_context>

<pallas_src>
import dataclasses
import functools

import jax
import jax.numpy as jnp
from jax import lax
from jax.experimental import pallas as pl
from jax.experimental.pallas import tpu as pltpu
from jax.experimental.pallas import tpu_sc as plsc

_NODES = 50000
_EDGES = 1600000
_F = 16
_NC = 2
_NS = 16
_NP = 391
_NODES_PAD = _NP * 128
_EB = _EDGES // 128
_HB = _EB // 2
_NB = 25
_CH = _NB * 128
_NCHUNK = _HB // _NB


def _sc_compiler_params():
    cp = pltpu.CompilerParams(use_tc_tiling_on_sc=False)
    if "needs_layout_passes" in pltpu.CompilerParams.__dataclass_fields__:
        cp = dataclasses.replace(cp, needs_layout_passes=False)
    return cp


def _sc_scatter(x, idx1, idx2):
    mesh = plsc.VectorSubcoreMesh(core_axis_name="core", subcore_axis_name="subcore")

    @functools.partial(
        pl.kernel,
        out_type=jax.ShapeDtypeStruct((_NC, _F, _NP, 128), jnp.float32),
        mesh=mesh,
        scratch_types=[
            pltpu.VMEM((_NP, 128), jnp.float32),
            pltpu.VMEM((2, _NB, 1, 128), jnp.float32),
            pltpu.VMEM((2, _NB, 1, 128), jnp.float32),
            pltpu.VMEM((2, _CH), jnp.int32),
            pltpu.VMEM((2, _CH), jnp.int32),
            pltpu.SemaphoreType.DMA((2,)),
        ],
        compiler_params=_sc_compiler_params(),
    )
    def k(x_hbm, i1_hbm, i2_hbm, part_hbm, acc, vx, vy, b1, b2, sems):
        h = lax.axis_index("core")
        f = lax.axis_index("subcore")
        g = f // 8
        c = f % 8
        blk0 = h * _HB
        e0 = blk0 * 128

        @pl.loop(0, _NP)
        def _(i):
            for l in range(8):
                acc[i, pl.ds(l * 16, 16)] = jnp.zeros((16,), jnp.float32)

        def issue(kc, par):
            blk = blk0 + kc * _NB
            e = e0 + kc * _CH
            pltpu.async_copy(x_hbm.at[g, pl.ds(blk, _NB), pl.ds(c, 1)],
                             vx.at[par], sems.at[par])
            pltpu.async_copy(x_hbm.at[g + 2, pl.ds(blk, _NB), pl.ds(c, 1)],
                             vy.at[par], sems.at[par])
            pltpu.async_copy(i1_hbm.at[pl.ds(e, _CH)], b1.at[par], sems.at[par])
            pltpu.async_copy(i2_hbm.at[pl.ds(e, _CH)], b2.at[par], sems.at[par])

        def wait(par):
            pltpu.make_async_copy(x_hbm.at[g, pl.ds(blk0, _NB), pl.ds(c, 1)],
                                  vx.at[par], sems.at[par]).wait()
            pltpu.make_async_copy(x_hbm.at[g, pl.ds(blk0, _NB), pl.ds(c, 1)],
                                  vy.at[par], sems.at[par]).wait()
            pltpu.make_async_copy(i1_hbm.at[pl.ds(e0, _CH)], b1.at[par],
                                  sems.at[par]).wait()
            pltpu.make_async_copy(i1_hbm.at[pl.ds(e0, _CH)], b2.at[par],
                                  sems.at[par]).wait()

        def compute(par):
            @plsc.parallel_loop(0, _NB, unroll=4)
            def _(r):
                for l in range(8):
                    off = r * 128 + l * 16
                    iv1 = b1[par, pl.ds(off, 16)]
                    v1 = vx[par, r, 0, pl.ds(l * 16, 16)]
                    plsc.addupdate_scatter(
                        acc, [lax.shift_right_logical(iv1, 7), iv1 & 127], v1)
                    iv2 = b2[par, pl.ds(off, 16)]
                    v2 = vy[par, r, 0, pl.ds(l * 16, 16)]
                    plsc.addupdate_scatter(
                        acc, [lax.shift_right_logical(iv2, 7), iv2 & 127], v2)

        issue(0, 0)

        @pl.loop(0, _NCHUNK, step=2)
        def _(kc):
            for par in range(2):
                kk = kc + par

                @pl.when(kk + 1 < _NCHUNK)
                def _():
                    issue(kk + 1, 1 - par)

                wait(par)
                compute(par)

        pltpu.sync_copy(acc, part_hbm.at[h, f])

    return k(x, idx1, idx2)


def _tc_sum(partials):
    def body(p_ref, o_ref):
        o_ref[...] = p_ref[0] + p_ref[1]

    return pl.pallas_call(
        body,
        out_shape=jax.ShapeDtypeStruct((_F, _NP, 128), jnp.float32),
    )(partials)


def _tc_b_copy_t(deltas_t):
    def body(d_ref, o_ref):
        o_ref[...] = d_ref[...]

    w = 32000
    return pl.pallas_call(
        body,
        grid=(_EDGES // w,),
        in_specs=[pl.BlockSpec((_F, w), lambda i: (2, i))],
        out_specs=pl.BlockSpec((_F, w), lambda i: (0, i)),
        out_shape=jax.ShapeDtypeStruct((_F, _EDGES), jnp.float32),
    )(deltas_t)


def kernel(unary, binary, deltas, index1, index2):
    x = deltas.reshape(_EB, 128, 6, 8).transpose(2, 0, 3, 1)
    partials = _sc_scatter(x, index1, index2)
    s = _tc_sum(partials)
    out1 = s.reshape(_F, _NODES_PAD).T[:_NODES]
    b = _tc_b_copy_t(deltas.T).T
    return (out1, b)

# --- scband reference (transcript-rebuilt; emitter-appended) ---
"""Pipeline reference for scband-group-by-67534065762562 (READ-ONLY COPY).

The authoritative reference and input builder live on the scoring server;
editing this copy changes nothing except your own understanding.
"""

import jax, jax.numpy as jnp
import numpy as np

N_UNARY = 16
N_NODES = 50000
N_EDGES = 1600000
N_BINARY = 16


def setup_inputs(seed: int = 0) -> dict:
    key = jax.random.key(seed)
    k1, k2, k3, k4, k5 = jax.random.split(key, 5)
    unary = jax.random.normal(k1, (N_NODES, N_UNARY), dtype=jnp.float32)
    binary = jax.random.normal(k2, (N_EDGES, N_BINARY), dtype=jnp.float32)
    deltas = jax.random.normal(k3, (N_EDGES, 2 * N_UNARY + N_BINARY), dtype=jnp.float32)
    index1 = jax.random.randint(k4, (N_EDGES,), 0, N_NODES, dtype=jnp.int32)
    index2 = jax.random.randint(k5, (N_EDGES,), 0, N_NODES, dtype=jnp.int32)
    return {"unary": unary, "binary": binary, "deltas": deltas, "index1": index1, "index2": index2}


def reference(unary, binary, deltas, index1, index2):
    n_unary = N_UNARY
    ux = deltas[:, :n_unary]
    uy = deltas[:, n_unary:2 * n_unary]
    b = deltas[:, 2 * n_unary:]
    # scatter_add(src=ux, index=index1, dim=0, out=zeros(unary.shape))
    ux_deltas = jnp.zeros(unary.shape, dtype=unary.dtype).at[index1].add(ux)
    uy_deltas = jnp.zeros(unary.shape, dtype=unary.dtype).at[index2].add(uy)
    return (ux_deltas + uy_deltas, b)

if __name__ == "__main__":
    import jax
    _d = setup_inputs()
    print(jax.jit(kernel)(*tuple(_d.values())))

</pallas_src>

<mosaic_0001>
#map = affine_map<(d0, d1) -> (0, 0, 0, 0)>
#map1 = affine_map<(d0, d1) -> (0)>
module attributes {stable_mosaic.version = 14 : i64} {
  func.func @k(%arg0: i32, %arg1: i32, %arg2: memref<6x12500x8x128xf32, #tpu.memory_space<hbm>>, %arg3: memref<1600000xi32, #tpu.memory_space<hbm>>, %arg4: memref<1600000xi32, #tpu.memory_space<hbm>>, %arg5: memref<2x16x391x128xf32, #tpu.memory_space<hbm>>, %arg6: memref<391x128xf32, #tpu.memory_space<vmem>>, %arg7: memref<2x25x1x128xf32, #tpu.memory_space<vmem>>, %arg8: memref<2x25x1x128xf32, #tpu.memory_space<vmem>>, %arg9: memref<2x3200xi32, #tpu.memory_space<vmem>>, %arg10: memref<2x3200xi32, #tpu.memory_space<vmem>>, %arg11: memref<2x!tpu.dma_semaphore, #tpu.memory_space<semaphore_mem>>) attributes {dimension_semantics = [#tpu.dimension_semantics<core_parallel>, #tpu.dimension_semantics<subcore_parallel>], iteration_bounds = array<i64: 2, 16>, scalar_prefetch = 0 : i64, scratch_operands = 6 : i64, tpu.core_type = #tpu.core_type<sc_vector_subcore>, window_params = [{transform_indices = #map}, {transform_indices = #map1}, {transform_indices = #map1}, {transform_indices = #map}]} {
    %jit3A = arith.constant 8 : i32
    %div3A = arith.divsi %arg1, %jit3A : i32
    %sign3A = arith.constant 0 : i32
    %sign3A_0 = arith.cmpi sgt, %arg1, %sign3A : i32
    %sign3A_1 = arith.extui %sign3A_0 : i1 to i32
    %sign3A_2 = arith.constant 0 : i32
    %sign3A_3 = arith.cmpi slt, %arg1, %sign3A_2 : i32
    %sign3A_4 = arith.extui %sign3A_3 : i1 to i32
    %sign3A_5 = arith.subi %sign3A_1, %sign3A_4 : i32
    %sign3A_6 = arith.constant 0 : i32
    %sign3A_7 = arith.cmpi sgt, %jit3A, %sign3A_6 : i32
    %sign3A_8 = arith.extui %sign3A_7 : i1 to i32
    %sign3A_9 = arith.constant 0 : i32
    %sign3A_10 = arith.cmpi slt, %jit3A, %sign3A_9 : i32
    %sign3A_11 = arith.extui %sign3A_10 : i1 to i32
    %sign3A_12 = arith.subi %sign3A_8, %sign3A_11 : i32
    %ne3A = arith.cmpi ne, %sign3A_5, %sign3A_12 : i32
    %rem3A = arith.remsi %arg1, %jit3A : i32
    %ne3A_13 = arith.constant 0 : i32
    %ne3A_14 = arith.cmpi ne, %rem3A, %ne3A_13 : i32
    %and3A = arith.andi %ne3A, %ne3A_14 : i1
    %sub3A = arith.constant 1 : i32
    %sub3A_15 = arith.subi %div3A, %sub3A : i32
    %select_n3A = arith.select %and3A, %sub3A_15, %div3A : i32
    %jit3A_16 = arith.constant 8 : i32
    %eq3A = arith.constant 0 : i32
    %eq3A_17 = arith.cmpi eq, %jit3A_16, %eq3A : i32
    %jit3A_18 = arith.constant 1 : i32
    %select_n3A_19 = arith.select %eq3A_17, %jit3A_18, %jit3A_16 : i32
    %rem3A_20 = arith.remsi %arg1, %select_n3A_19 : i32
    %ne3A_21 = arith.constant 0 : i32
    %ne3A_22 = arith.cmpi ne, %rem3A_20, %ne3A_21 : i32
    %lt3A = arith.constant 0 : i32
    %lt3A_23 = arith.cmpi slt, %rem3A_20, %lt3A : i32
    %lt3A_24 = arith.constant 0 : i32
    %lt3A_25 = arith.cmpi slt, %select_n3A_19, %lt3A_24 : i32
    %ne3A_26 = arith.xori %lt3A_23, %lt3A_25 : i1
    %and3A_27 = arith.andi %ne3A_26, %ne3A_22 : i1
    %add3A = arith.addi %rem3A_20, %select_n3A_19 : i32
    %select_n3A_28 = arith.select %and3A_27, %add3A, %rem3A_20 : i32
    %mul3A = arith.constant 6250 : i32
    %mul3A_29 = arith.muli %arg0, %mul3A : i32
    %mul3A_30 = arith.constant 128 : i32
    %mul3A_31 = arith.muli %mul3A_29, %mul3A_30 : i32
    %scan3A = arith.constant 0 : i32
    %scan3A_32 = arith.constant 391 : i32
    %scan3A_33 = arith.addi %scan3A, %scan3A_32 : i32
    %scan3A_34 = arith.constant 1 : i32
    scf.for %scan3A_110 = %scan3A to %scan3A_33 step %scan3A_34  : i32 {
      %mul3A_111 = arith.constant 1 : i32
      %mul3A_112 = arith.muli %scan3A_110, %mul3A_111 : i32
      %add3A_113 = arith.constant 0 : i32
      %add3A_114 = arith.addi %add3A_113, %mul3A_112 : i32
      %broadcast_in_dim3A = arith.constant 0.000000e+00 : f32
      %broadcast_in_dim3A_115 = vector.broadcast %broadcast_in_dim3A : f32 to vector<16xf32>
      %swap3A = arith.index_cast %add3A_114 : i32 to index
      %swap3A_116 = arith.constant 0 : index
      %swap3A_117 = tpu.vector_load %arg6[%swap3A, %swap3A_116] {strides = array<i32>} : memref<391x128xf32, #tpu.memory_space<vmem>>, vector<16xf32>,
      tpu.vector_store %arg6[%swap3A, %swap3A_116], %broadcast_in_dim3A_115 {strides = array<i32>} : memref<391x128xf32, #tpu.memory_space<vmem>>, vector<16xf32>,
      %broadcast_in_dim3A_118 = arith.constant 0.000000e+00 : f32
      %broadcast_in_dim3A_119 = vector.broadcast %broadcast_in_dim3A_118 : f32 to vector<16xf32>
      %swap3A_120 = arith.index_cast %add3A_114 : i32 to index
      %swap3A_121 = arith.constant 16 : index
      %swap3A_122 = tpu.vector_load %arg6[%swap3A_120, %swap3A_121] {strides = array<i32>} : memref<391x128xf32, #tpu.memory_space<vmem>>, vector<16xf32>,
      tpu.vector_store %arg6[%swap3A_120, %swap3A_121], %broadcast_in_dim3A_119 {strides = array<i32>} : memref<391x128xf32, #tpu.memory_space<vmem>>, vector<16xf32>,
      %broadcast_in_dim3A_123 = arith.constant 0.000000e+00 : f32
      %broadcast_in_dim3A_124 = vector.broadcast %broadcast_in_dim3A_123 : f32 to vector<16xf32>
      %swap3A_125 = arith.index_cast %add3A_114 : i32 to index
      %swap3A_126 = arith.constant 32 : index
      %swap3A_127 = tpu.vector_load %arg6[%swap3A_125, %swap3A_126] {strides = array<i32>} : memref<391x128xf32, #tpu.memory_space<vmem>>, vector<16xf32>,
      tpu.vector_store %arg6[%swap3A_125, %swap3A_126], %broadcast_in_dim3A_124 {strides = array<i32>} : memref<391x128xf32, #tpu.memory_space<vmem>>, vector<16xf32>,
      %broadcast_in_dim3A_128 = arith.constant 0.000000e+00 : f32
      %broadcast_in_dim3A_129 = vector.broadcast %broadcast_in_dim3A_128 : f32 to vector<16xf32>
      %swap3A_130 = arith.index_cast %add3A_114 : i32 to index
      %swap3A_131 = arith.constant 48 : index
      %swap3A_132 = tpu.vector_load %arg6[%swap3A_130, %swap3A_131] {strides = array<i32>} : memref<391x128xf32, #tpu.memory_space<vmem>>, vector<16xf32>,
      tpu.vector_store %arg6[%swap3A_130, %swap3A_131], %broadcast_in_dim3A_129 {strides = array<i32>} : memref<391x128xf32, #tpu.memory_space<vmem>>, vector<16xf32>,
      %broadcast_in_dim3A_133 = arith.constant 0.000000e+00 : f32
      %broadcast_in_dim3A_134 = vector.broadcast %broadcast_in_dim3A_133 : f32 to vector<16xf32>
      %swap3A_135 = arith.index_cast %add3A_114 : i32 to index
      %swap3A_136 = arith.constant 64 : index
      %swap3A_137 = tpu.vector_load %arg6[%swap3A_135, %swap3A_136] {strides = array<i32>} : memref<391x128xf32, #tpu.memory_space<vmem>>, vector<16xf32>,
      tpu.vector_store %arg6[%swap3A_135, %swap3A_136], %broadcast_in_dim3A_134 {strides = array<i32>} : memref<391x128xf32, #tpu.memory_space<vmem>>, vector<16xf32>,
      %broadcast_in_dim3A_138 = arith.constant 0.000000e+00 : f32
      %broadcast_in_dim3A_139 = vector.broadcast %broadcast_in_dim3A_138 : f32 to vector<16xf32>
      %swap3A_140 = arith.index_cast %add3A_114 : i32 to index
      %swap3A_141 = arith.constant 80 : index
      %swap3A_142 = tpu.vector_load %arg6[%swap3A_140, %swap3A_141] {strides = array<i32>} : memref<391x128xf32, #tpu.memory_space<vmem>>, vector<16xf32>,
      tpu.vector_store %arg6[%swap3A_140, %swap3A_141], %broadcast_in_dim3A_139 {strides = array<i32>} : memref<391x128xf32, #tpu.memory_space<vmem>>, vector<16xf32>,
      %broadcast_in_dim3A_143 = arith.constant 0.000000e+00 : f32
      %broadcast_in_dim3A_144 = vector.broadcast %broadcast_in_dim3A_143 : f32 to vector<16xf32>
      %swap3A_145 = arith.index_cast %add3A_114 : i32 to index
      %swap3A_146 = arith.constant 96 : index
      %swap3A_147 = tpu.vector_load %arg6[%swap3A_145, %swap3A_146] {strides = array<i32>} : memref<391x128xf32, #tpu.memory_space<vmem>>, vector<16xf32>,
      tpu.vector_store %arg6[%swap3A_145, %swap3A_146], %broadcast_in_dim3A_144 {strides = array<i32>} : memref<391x128xf32, #tpu.memory_space<vmem>>, vector<16xf32>,
      %broadcast_in_dim3A_148 = arith.constant 0.000000e+00 : f32
      %broadcast_in_dim3A_149 = vector.broadcast %broadcast_in_dim3A_148 : f32 to vector<16xf32>
      %swap3A_150 = arith.index_cast %add3A_114 : i32 to index
      %swap3A_151 = arith.constant 112 : index
      %swap3A_152 = tpu.vector_load %arg6[%swap3A_150, %swap3A_151] {strides = array<i32>} : memref<391x128xf32, #tpu.memory_space<vmem>>, vector<16xf32>,
      tpu.vector_store %arg6[%swap3A_150, %swap3A_151], %broadcast_in_dim3A_149 {strides = array<i32>} : memref<391x128xf32, #tpu.memory_space<vmem>>, vector<16xf32>,
    }
    %scan3A_35 = arith.constant 391 : i32
    %add3A_36 = arith.constant 0 : i32
    %add3A_37 = arith.addi %mul3A_29, %add3A_36 : i32
    %add3A_38 = arith.constant 0 : i32
    %add3A_39 = arith.addi %mul3A_31, %add3A_38 : i32
    %dma_start3A = arith.constant 0 : i32
    %dma_start3A_40 = arith.constant 0 : i32
    %dma_start3A_41 = arith.constant 0 : i32
    %dma_start3A_42 = arith.constant 0 : i32
    %dma_start3A_43 = arith.constant 0 : i32
    %dma_start3A_44 = tpu.memref_slice %arg7[%dma_start3A, %dma_start3A_41, %dma_start3A_42, %dma_start3A_43] : memref<2x25x1x128xf32, #tpu.memory_space<vmem>> -> memref<1x25x1x128xf32, #tpu.memory_space<vmem>>
    %dma_start3A_45 = tpu.memref_squeeze %dma_start3A_44 : memref<1x25x1x128xf32, #tpu.memory_space<vmem>> -> memref<25x1x128xf32, #tpu.memory_space<vmem>>
    %dma_start3A_46 = arith.constant 0 : i32
    %dma_start3A_47 = tpu.memref_slice %arg2[%select_n3A, %add3A_37, %select_n3A_28, %dma_start3A_46] : memref<6x12500x8x128xf32, #tpu.memory_space<hbm>> -> memref<1x25x1x128xf32, #tpu.memory_space<hbm>>
    %dma_start3A_48 = tpu.memref_squeeze %dma_start3A_47 : memref<1x25x1x128xf32, #tpu.memory_space<hbm>> -> memref<25x1x128xf32, #tpu.memory_space<hbm>>
    %dma_start3A_49 = tpu.memref_slice %arg11[%dma_start3A_40] : memref<2x!tpu.dma_semaphore, #tpu.memory_space<semaphore_mem>> -> memref<1x!tpu.dma_semaphore, #tpu.memory_space<semaphore_mem>>
    %dma_start3A_50 = tpu.memref_squeeze %dma_start3A_49 : memref<1x!tpu.dma_semaphore, #tpu.memory_space<semaphore_mem>> -> memref<!tpu.dma_semaphore, #tpu.memory_space<semaphore_mem>>
    %dma_start3A_51 = arith.constant 0 : i32
    %dma_start3A_52 = arith.constant 0 : i32
    %dma_start3A_53 = arith.constant 0 : i32
    %dma_start3A_54 = tpu.memref_slice %arg7[%dma_start3A, %dma_start3A_51, %dma_start3A_52, %dma_start3A_53] : memref<2x25x1x128xf32, #tpu.memory_space<vmem>> -> memref<1x25x1x128xf32, #tpu.memory_space<vmem>>
    %dma_start3A_55 = tpu.memref_squeeze %dma_start3A_54 : memref<1x25x1x128xf32, #tpu.memory_space<vmem>> -> memref<25x1x128xf32, #tpu.memory_space<vmem>>
    %dma_start3A_56 = arith.constant 0 : i32
    %dma_start3A_57 = tpu.memref_slice %arg2[%select_n3A, %add3A_37, %select_n3A_28, %dma_start3A_56] : memref<6x12500x8x128xf32, #tpu.memory_space<hbm>> -> memref<1x25x1x128xf32, #tpu.memory_space<hbm>>
    %dma_start3A_58 = tpu.memref_squeeze %dma_start3A_57 : memref<1x25x1x128xf32, #tpu.memory_space<hbm>> -> memref<25x1x128xf32, #tpu.memory_space<hbm>>
    tpu.enqueue_dma source(%dma_start3A_58 : memref<25x1x128xf32, #tpu.memory_space<hbm>>) target(%dma_start3A_55 : memref<25x1x128xf32, #tpu.memory_space<vmem>>) target_semaphore(%dma_start3A_50 : memref<!tpu.dma_semaphore, #tpu.memory_space<semaphore_mem>>)
    %add3A_59 = arith.constant 2 : i32
    %add3A_60 = arith.addi %select_n3A, %add3A_59 : i32
    %dma_start3A_61 = arith.constant 0 : i32
    %dma_start3A_62 = arith.constant 0 : i32
    %dma_start3A_63 = arith.constant 0 : i32
    %dma_start3A_64 = arith.constant 0 : i32
    %dma_start3A_65 = arith.constant 0 : i32
    %dma_start3A_66 = tpu.memref_slice %arg8[%dma_start3A_61, %dma_start3A_63, %dma_start3A_64, %dma_start3A_65] : memref<2x25x1x128xf32, #tpu.memory_space<vmem>> -> memref<1x25x1x128xf32, #tpu.memory_space<vmem>>
    %dma_start3A_67 = tpu.memref_squeeze %dma_start3A_66 : memref<1x25x1x128xf32, #tpu.memory_space<vmem>> -> memref<25x1x128xf32, #tpu.memory_space<vmem>>
    %dma_start3A_68 = arith.constant 0 : i32
    %dma_start3A_69 = tpu.memref_slice %arg2[%add3A_60, %add3A_37, %select_n3A_28, %dma_start3A_68] : memref<6x12500x8x128xf32, #tpu.memory_space<hbm>> -> memref<1x25x1x128xf32, #tpu.memory_space<hbm>>
    %dma_start3A_70 = tpu.memref_squeeze %dma_start3A_69 : memref<1x25x1x128xf32, #tpu.memory_space<hbm>> -> memref<25x1x128xf32, #tpu.memory_space<hbm>>
    %dma_start3A_71 = tpu.memref_slice %arg11[%dma_start3A_62] : memref<2x!tpu.dma_semaphore, #tpu.memory_space<semaphore_mem>> -> memref<1x!tpu.dma_semaphore, #tpu.memory_space<semaphore_mem>>
    %dma_start3A_72 = tpu.memref_squeeze %dma_start3A_71 : memref<1x!tpu.dma_semaphore, #tpu.memory_space<semaphore_mem>> -> memref<!tpu.dma_semaphore, #tpu.memory_space<semaphore_mem>>
    %dma_start3A_73 = arith.constant 0 : i32
    %dma_start3A_74 = arith.constant 0 : i32
    %dma_start3A_75 = arith.constant 0 : i32
    %dma_start3A_76 = tpu.memref_slice %arg8[%dma_start3A_61, %dma_start3A_73, %dma_start3A_74, %dma_start3A_75] : memref<2x25x1x128xf32, #tpu.memory_space<vmem>> -> memref<1x25x1x128xf32, #tpu.memory_space<vmem>>
    %dma_start3A_77 = tpu.memref_squeeze %dma_start3A_76 : memref<1x25x1x128xf32, #tpu.memory_space<vmem>> -> memref<25x1x128xf32, #tpu.memory_space<vmem>>
    %dma_start3A_78 = arith.constant 0 : i32
    %dma_start3A_79 = tpu.memref_slice %arg2[%add3A_60, %add3A_37, %select_n3A_28, %dma_start3A_78] : memref<6x12500x8x128xf32, #tpu.memory_space<hbm>> -> memref<1x25x1x128xf32, #tpu.memory_space<hbm>>
    %dma_start3A_80 = tpu.memref_squeeze %dma_start3A_79 : memref<1x25x1x128xf32, #tpu.memory_space<hbm>> -> memref<25x1x128xf32, #tpu.memory_space<hbm>>
    tpu.enqueue_dma source(%dma_start3A_80 : memref<25x1x128xf32, #tpu.memory_space<hbm>>) target(%dma_start3A_77 : memref<25x1x128xf32, #tpu.memory_space<vmem>>) target_semaphore(%dma_start3A_72 : memref<!tpu.dma_semaphore, #tpu.memory_space<semaphore_mem>>)
    %dma_start3A_81 = arith.constant 0 : i32
    %dma_start3A_82 = arith.constant 0 : i32
    %dma_start3A_83 = arith.constant 0 : i32
    %dma_start3A_84 = tpu.memref_slice %arg9[%dma_start3A_81, %dma_start3A_83] : memref<2x3200xi32, #tpu.memory_space<vmem>> -> memref<1x3200xi32, #tpu.memory_space<vmem>>
    %dma_start3A_85 = tpu.memref_squeeze %dma_start3A_84 : memref<1x3200xi32, #tpu.memory_space<vmem>> -> memref<3200xi32, #tpu.memory_space<vmem>>
    %dma_start3A_86 = tpu.memref_slice %arg3[%add3A_39] : memref<1600000xi32, #tpu.memory_space<hbm>> -> memref<3200xi32, #tpu.memory_space<hbm>>
    %dma_start3A_87 = tpu.memref_slice %arg11[%dma_start3A_82] : memref<2x!tpu.dma_semaphore, #tpu.memory_space<semaphore_mem>> -> memref<1x!tpu.dma_semaphore, #tpu.memory_space<semaphore_mem>>
    %dma_start3A_88 = tpu.memref_squeeze %dma_start3A_87 : memref<1x!tpu.dma_semaphore, #tpu.memory_space<semaphore_mem>> -> memref<!tpu.dma_semaphore, #tpu.memory_space<semaphore_mem>>
    %dma_start3A_89 = arith.constant 0 : i32
    %dma_start3A_90 = tpu.memref_slice %arg9[%dma_start3A_81, %dma_start3A_89] : memref<2x3200xi32, #tpu.memory_space<vmem>> -> memref<1x3200xi32, #tpu.memory_space<vmem>>
    %dma_start3A_91 = tpu.memref_squeeze %dma_start3A_90 : memref<1x3200xi32, #tpu.memory_space<vmem>> -> memref<3200xi32, #tpu.memory_space<vmem>>
    %dma_start3A_92 = tpu.memref_slice %arg3[%add3A_39] : memref<1600000xi32, #tpu.memory_space<hbm>> -> memref<3200xi32, #tpu.memory_space<hbm>>
    tpu.enqueue_dma source(%dma_start3A_92 : memref<3200xi32, #tpu.memory_space<hbm>>) target(%dma_start3A_91 : memref<3200xi32, #tpu.memory_space<vmem>>) target_semaphore(%dma_start3A_88 : memref<!tpu.dma_semaphore, #tpu.memory_space<semaphore_mem>>)
    %dma_start3A_93 = arith.constant 0 : i32
    %dma_start3A_94 = arith.constant 0 : i32
    %dma_start3A_95 = arith.constant 0 : i32
    %dma_start3A_96 = tpu.memref_slice %arg10[%dma_start3A_93, %dma_start3A_95] : memref<2x3200xi32, #tpu.memory_space<vmem>> -> memref<1x3200xi32, #tpu.memory_space<vmem>>
    %dma_start3A_97 = tpu.memref_squeeze %dma_start3A_96 : memref<1x3200xi32, #tpu.memory_space<vmem>> -> memref<3200xi32, #tpu.memory_space<vmem>>
    %dma_start3A_98 = tpu.memref_slice %arg4[%add3A_39] : memref<1600000xi32, #tpu.memory_space<hbm>> -> memref<3200xi32, #tpu.memory_space<hbm>>
    %dma_start3A_99 = tpu.memref_slice %arg11[%dma_start3A_94] : memref<2x!tpu.dma_semaphore, #tpu.memory_space<semaphore_mem>> -> memref<1x!tpu.dma_semaphore, #tpu.memory_space<semaphore_mem>>
    %dma_start3A_100 = tpu.memref_squeeze %dma_start3A_99 : memref<1x!tpu.dma_semaphore, #tpu.memory_space<semaphore_mem>> -> memref<!tpu.dma_semaphore, #tpu.memory_space<semaphore_mem>>
    %dma_start3A_101 = arith.constant 0 : i32
    %dma_start3A_102 = tpu.memref_slice %arg10[%dma_start3A_93, %dma_start3A_101] : memref<2x3200xi32, #tpu.memory_space<vmem>> -> memref<1x3200xi32, #tpu.memory_space<vmem>>
    %dma_start3A_103 = tpu.memref_squeeze %dma_start3A_102 : memref<1x3200xi32, #tpu.memory_space<vmem>> -> memref<3200xi32, #tpu.memory_space<vmem>>
    %dma_start3A_104 = tpu.memref_slice %arg4[%add3A_39] : memref<1600000xi32, #tpu.memory_space<hbm>> -> memref<3200xi32, #tpu.memory_space<hbm>>
    tpu.enqueue_dma source(%dma_start3A_104 : memref<3200xi32, #tpu.memory_space<hbm>>) target(%dma_start3A_103 : memref<3200xi32, #tpu.memory_space<vmem>>) target_semaphore(%dma_start3A_100 : memref<!tpu.dma_semaphore, #tpu.memory_space<semaphore_mem>>)
    %scan3A_105 = arith.constant 0 : i32
    %scan3A_106 = arith.constant 125 : i32
    %scan3A_107 = arith.addi %scan3A_105, %scan3A_106 : i32
    %scan3A_108 = arith.constant 1 : i32
    scf.for %scan3A_110 = %scan3A_105 to %scan3A_107 step %scan3A_108  : i32 {
      %mul3A_111 = arith.constant 2 : i32
      %mul3A_112 = arith.muli %scan3A_110, %mul3A_111 : i32
      %add3A_113 = arith.constant 0 : i32
      %add3A_114 = arith.addi %add3A_113, %mul3A_112 : i32
      %add3A_115 = arith.constant 0 : i32
      %add3A_116 = arith.addi %add3A_114, %add3A_115 : i32
      %add3A_117 = arith.constant 1 : i32
      %add3A_118 = arith.addi %add3A_116, %add3A_117 : i32
      %lt3A_119 = arith.constant 250 : i32
      %lt3A_120 = arith.cmpi slt, %add3A_118, %lt3A_119 : i32
      %convert_element_type3A = arith.extui %lt3A_120 : i1 to i32
      %cond3A = arith.constant 0 : i32
      %cond3A_121 = arith.cmpi ne, %convert_element_type3A, %cond3A : i32
      scf.if %cond3A_121 {
        %add3A_263 = arith.constant 1 : i32
        %add3A_264 = arith.addi %add3A_116, %add3A_263 : i32
        %mul3A_265 = arith.constant 25 : i32
        %mul3A_266 = arith.muli %add3A_264, %mul3A_265 : i32
        %add3A_267 = arith.addi %mul3A_29, %mul3A_266 : i32
        %mul3A_268 = arith.constant 3200 : i32
        %mul3A_269 = arith.muli %add3A_264, %mul3A_268 : i32
        %add3A_270 = arith.addi %mul3A_31, %mul3A_269 : i32
        %dma_start3A_271 = arith.constant 1 : i32
        %dma_start3A_272 = arith.constant 1 : i32
        %dma_start3A_273 = arith.constant 0 : i32
        %dma_start3A_274 = arith.constant 0 : i32
        %dma_start3A_275 = arith.constant 0 : i32
        %dma_start3A_276 = tpu.memref_slice %arg7[%dma_start3A_271, %dma_start3A_273, %dma_start3A_274, %dma_start3A_275] : memref<2x25x1x128xf32, #tpu.memory_space<vmem>> -> memref<1x25x1x128xf32, #tpu.memory_space<vmem>>
        %dma_start3A_277 = tpu.memref_squeeze %dma_start3A_276 : memref<1x25x1x128xf32, #tpu.memory_space<vmem>> -> memref<25x1x128xf32, #tpu.memory_space<vmem>>
        %dma_start3A_278 = arith.constant 0 : i32
        %dma_start3A_279 = tpu.memref_slice %arg2[%select_n3A, %add3A_267, %select_n3A_28, %dma_start3A_278] : memref<6x12500x8x128xf32, #tpu.memory_space<hbm>> -> memref<1x25x1x128xf32, #tpu.memory_space<hbm>>
        %dma_start3A_280 = tpu.memref_squeeze %dma_start3A_279 : memref<1x25x1x128xf32, #tpu.memory_space<hbm>> -> memref<25x1x128xf32, #tpu.memory_space<hbm>>
        %dma_start3A_281 = tpu.memref_slice %arg11[%dma_start3A_272] : memref<2x!tpu.dma_semaphore, #tpu.memory_space<semaphore_mem>> -> memref<1x!tpu.dma_semaphore, #tpu.memory_space<semaphore_mem>>
        %dma_start3A_282 = tpu.memref_squeeze %dma_start3A_281 : memref<1x!tpu.dma_semaphore, #tpu.memory_space<semaphore_mem>> -> memref<!tpu.dma_semaphore, #tpu.memory_space<semaphore_mem>>
        %dma_start3A_283 = arith.constant 0 : i32
        %dma_start3A_284 = arith.constant 0 : i32
        %dma_start3A_285 = arith.constant 0 : i32
        %dma_start3A_286 = tpu.memref_slice %arg7[%dma_start3A_271, %dma_start3A_283, %dma_start3A_284, %dma_start3A_285] : memref<2x25x1x128xf32, #tpu.memory_space<vmem>> -> memref<1x25x1x128xf32, #tpu.memory_space<vmem>>
        %dma_start3A_287 = tpu.memref_squeeze %dma_start3A_286 : memref<1x25x1x128xf32, #tpu.memory_space<vmem>> -> memref<25x1x128xf32, #tpu.memory_space<vmem>>
        %dma_start3A_288 = arith.constant 0 : i32
        %dma_start3A_289 = tpu.memref_slice %arg2[%select_n3A, %add3A_267, %select_n3A_28, %dma_start3A_288] : memref<6x12500x8x128xf32, #tpu.memory_space<hbm>> -> memref<1x25x1x128xf32, #tpu.memory_space<hbm>>
        %dma_start3A_290 = tpu.memref_squeeze %dma_start3A_289 : memref<1x25x1x128xf32, #tpu.memory_space<hbm>> -> memref<25x1x128xf32, #tpu.memory_space<hbm>>
        tpu.enqueue_dma source(%dma_start3A_290 : memref<25x1x128xf32, #tpu.memory_space<hbm>>) target(%dma_start3A_287 : memref<25x1x128xf32, #tpu.memory_space<vmem>>) target_semaphore(%dma_start3A_282 : memref<!tpu.dma_semaphore, #tpu.memory_space<semaphore_mem>>)
        %add3A_291 = arith.constant 2 : i32
        %add3A_292 = arith.addi %select_n3A, %add3A_291 : i32
        %dma_start3A_293 = arith.constant 1 : i32
        %dma_start3A_294 = arith.constant 1 : i32
        %dma_start3A_295 = arith.constant 0 : i32
        %dma_start3A_296 = arith.constant 0 : i32
        %dma_start3A_297 = arith.constant 0 : i32
        %dma_start3A_298 = tpu.memref_slice %arg8[%dma_start3A_293, %dma_start3A_295, %dma_start3A_296, %dma_start3A_297] : memref<2x25x1x128xf32, #tpu.memory_space<vmem>> -> memref<1x25x1x128xf32, #tpu.memory_space<vmem>>
        %dma_start3A_299 = tpu.memref_squeeze %dma_start3A_298 : memref<1x25x1x128xf32, #tpu.memory_space<vmem>> -> memref<25x1x128xf32, #tpu.memory_space<vmem>>
        %dma_start3A_300 = arith.constant 0 : i32
        %dma_start3A_301 = tpu.memref_slice %arg2[%add3A_292, %add3A_267, %select_n3A_28, %dma_start3A_300] : memref<6x12500x8x128xf32, #tpu.memory_space<hbm>> -> memref<1x25x1x128xf32, #tpu.memory_space<hbm>>
        %dma_start3A_302 = tpu.memref_squeeze %dma_start3A_301 : memref<1x25x1x128xf32, #tpu.memory_space<hbm>> -> memref<25x1x128xf32, #tpu.memory_space<hbm>>
        %dma_start3A_303 = tpu.memref_slice %arg11[%dma_start3A_294] : memref<2x!tpu.dma_semaphore, #tpu.memory_space<semaphore_mem>> -> memref<1x!tpu.dma_semaphore, #tpu.memory_space<semaphore_mem>>
        %dma_start3A_304 = tpu.memref_squeeze %dma_start3A_303 : memref<1x!tpu.dma_semaphore, #tpu.memory_space<semaphore_mem>> -> memref<!tpu.dma_semaphore, #tpu.memory_space<semaphore_mem>>
        %dma_start3A_305 = arith.constant 0 : i32
        %dma_start3A_306 = arith.constant 0 : i32
        %dma_start3A_307 = arith.constant 0 : i32
        %dma_start3A_308 = tpu.memref_slice %arg8[%dma_start3A_293, %dma_start3A_305, %dma_start3A_306, %dma_start3A_307] : memref<2x25x1x128xf32, #tpu.memory_space<vmem>> -> memref<1x25x1x128xf32, #tpu.memory_space<vmem>>
        %dma_start3A_309 = tpu.memref_squeeze %dma_start3A_308 : memref<1x25x1x128xf32, #tpu.memory_space<vmem>> -> memref<25x1x128xf32, #tpu.memory_space<vmem>>
        %dma_start3A_310 = arith.constant 0 : i32
        %dma_start3A_311 = tpu.memref_slice %arg2[%add3A_292, %add3A_267, %select_n3A_28, %dma_start3A_310] : memref<6x12500x8x128xf32, #tpu.memory_space<hbm>> -> memref<1x25x1x128xf32, #tpu.memory_space<hbm>>
        %dma_start3A_312 = tpu.memref_squeeze %dma_start3A_311 : memref<1x25x1x128xf32, #tpu.memory_space<hbm>> -> memref<25x1x128xf32, #tpu.memory_space<hbm>>
        tpu.enqueue_dma source(%dma_start3A_312 : memref<25x1x128xf32, #tpu.memory_space<hbm>>) target(%dma_start3A_309 : memref<25x1x128xf32, #tpu.memory_space<vmem>>) target_semaphore(%dma_start3A_304 : memref<!tpu.dma_semaphore, #tpu.memory_space<semaphore_mem>>)
        %dma_start3A_313 = arith.constant 1 : i32
        %dma_start3A_314 = arith.constant 1 : i32
        %dma_start3A_315 = arith.constant 0 : i32
        %dma_start3A_316 = tpu.memref_slice %arg9[%dma_start3A_313, %dma_start3A_315] : memref<2x3200xi32, #tpu.memory_space<vmem>> -> memref<1x3200xi32, #tpu.memory_space<vmem>>
        %dma_start3A_317 = tpu.memref_squeeze %dma_start3A_316 : memref<1x3200xi32, #tpu.memory_space<vmem>> -> memref<3200xi32, #tpu.memory_space<vmem>>
        %dma_start3A_318 = tpu.memref_slice %arg3[%add3A_270] : memref<1600000xi32, #tpu.memory_space<hbm>> -> memref<3200xi32, #tpu.memory_space<hbm>>
        %dma_start3A_319 = tpu.memref_slice %arg11[%dma_start3A_314] : memref<2x!tpu.dma_semaphore, #tpu.memory_space<semaphore_mem>> -> memref<1x!tpu.dma_semaphore, #tpu.memory_space<semaphore_mem>>
        %dma_start3A_320 = tpu.memref_squeeze %dma_start3A_319 : memref<1x!tpu.dma_semaphore, #tpu.memory_space<semaphore_mem>> -> memref<!tpu.dma_semaphore, #tpu.memory_space<semaphore_mem>>
        %dma_start3A_321 = arith.constant 0 : i32
        %dma_start3A_322 = tpu.memref_slice %arg9[%dma_start3A_313, %dma_start3A_321] : memref<2x3200xi32, #tpu.memory_space<vmem>> -> memref<1x3200xi32, #tpu.memory_space<vmem>>
        %dma_start3A_323 = tpu.memref_squeeze %dma_start3A_322 : memref<1x3200xi32, #tpu.memory_space<vmem>> -> memref<3200xi32, #tpu.memory_space<vmem>>
        %dma_start3A_324 = tpu.memref_slice %arg3[%add3A_270] : memref<1600000xi32, #tpu.memory_space<hbm>> -> memref<3200xi32, #tpu.memory_space<hbm>>
        tpu.enqueue_dma source(%dma_start3A_324 : memref<3200xi32, #tpu.memory_space<hbm>>) target(%dma_start3A_323 : memref<3200xi32, #tpu.memory_space<vmem>>) target_semaphore(%dma_start3A_320 : memref<!tpu.dma_semaphore, #tpu.memory_space<semaphore_mem>>)
        %dma_start3A_325 = arith.constant 1 : i32
        %dma_start3A_326 = arith.constant 1 : i32
        %dma_start3A_327 = arith.constant 0 : i32
        %dma_start3A_328 = tpu.memref_slice %arg10[%dma_start3A_325, %dma_start3A_327] : memref<2x3200xi32, #tpu.memory_space<vmem>> -> memref<1x3200xi32, #tpu.memory_space<vmem>>
        %dma_start3A_329 = tpu.memref_squeeze %dma_start3A_328 : memref<1x3200xi32, #tpu.memory_space<vmem>> -> memref<3200xi32, #tpu.memory_space<vmem>>
        %dma_start3A_330 = tpu.memref_slice %arg4[%add3A_270] : memref<1600000xi32, #tpu.memory_space<hbm>> -> memref<3200xi32, #tpu.memory_space<hbm>>
        %dma_start3A_331 = tpu.memref_slice %arg11[%dma_start3A_326] : memref<2x!tpu.dma_semaphore, #tpu.memory_space<semaphore_mem>> -> memref<1x!tpu.dma_semaphore, #tpu.memory_space<semaphore_mem>>
        %dma_start3A_332 = tpu.memref_squeeze %dma_start3A_331 : memref<1x!tpu.dma_semaphore, #tpu.memory_space<semaphore_mem>> -> memref<!tpu.dma_semaphore, #tpu.memory_space<semaphore_mem>>
        %dma_start3A_333 = arith.constant 0 : i32
        %dma_start3A_334 = tpu.memref_slice %arg10[%dma_start3A_325, %dma_start3A_333] : memref<2x3200xi32, #tpu.memory_space<vmem>> -> memref<1x3200xi32, #tpu.memory_space<vmem>>
        %dma_start3A_335 = tpu.memref_squeeze %dma_start3A_334 : memref<1x3200xi32, #tpu.memory_space<vmem>> -> memref<3200xi32, #tpu.memory_space<vmem>>
        %dma_start3A_336 = tpu.memref_slice %arg4[%add3A_270] : memref<1600000xi32, #tpu.memory_space<hbm>> -> memref<3200xi32, #tpu.memory_space<hbm>>
        tpu.enqueue_dma source(%dma_start3A_336 : memref<3200xi32, #tpu.memory_space<hbm>>) target(%dma_start3A_335 : memref<3200xi32, #tpu.memory_space<vmem>>) target_semaphore(%dma_start3A_332 : memref<!tpu.dma_semaphore, #tpu.memory_space<semaphore_mem>>)
      } else {
      }
      %dma_wait3A = arith.constant 0 : i32
      %dma_wait3A_122 = arith.constant 0 : i32
      %dma_wait3A_123 = arith.constant 0 : i32
      %dma_wait3A_124 = arith.constant 0 : i32
      %dma_wait3A_125 = arith.constant 0 : i32
      %dma_wait3A_126 = tpu.memref_slice %arg7[%dma_wait3A, %dma_wait3A_123, %dma_wait3A_124, %dma_wait3A_125] : memref<2x25x1x128xf32, #tpu.memory_space<vmem>> -> memref<1x25x1x128xf32, #tpu.memory_space<vmem>>
      %dma_wait3A_127 = tpu.memref_squeeze %dma_wait3A_126 : memref<1x25x1x128xf32, #tpu.memory_space<vmem>> -> memref<25x1x128xf32, #tpu.memory_space<vmem>>
      %dma_wait3A_128 = arith.constant 0 : i32
      %dma_wait3A_129 = tpu.memref_slice %arg2[%select_n3A, %mul3A_29, %select_n3A_28, %dma_wait3A_128] : memref<6x12500x8x128xf32, #tpu.memory_space<hbm>> -> memref<1x25x1x128xf32, #tpu.memory_space<hbm>>
      %dma_wait3A_130 = tpu.memref_squeeze %dma_wait3A_129 : memref<1x25x1x128xf32, #tpu.memory_space<hbm>> -> memref<25x1x128xf32, #tpu.memory_space<hbm>>
      %dma_wait3A_131 = tpu.memref_slice %arg11[%dma_wait3A_122] : memref<2x!tpu.dma_semaphore, #tpu.memory_space<semaphore_mem>> -> memref<1x!tpu.dma_semaphore, #tpu.memory_space<semaphore_mem>>
      %dma_wait3A_132 = tpu.memref_squeeze %dma_wait3A_131 : memref<1x!tpu.dma_semaphore, #tpu.memory_space<semaphore_mem>> -> memref<!tpu.dma_semaphore, #tpu.memory_space<semaphore_mem>>
      %dma_wait3A_133 = arith.constant 0 : i32
      %dma_wait3A_134 = arith.constant 0 : i32
      %dma_wait3A_135 = arith.constant 0 : i32
      %dma_wait3A_136 = tpu.memref_slice %arg7[%dma_wait3A, %dma_wait3A_133, %dma_wait3A_134, %dma_wait3A_135] : memref<2x25x1x128xf32, #tpu.memory_space<vmem>> -> memref<1x25x1x128xf32, #tpu.memory_space<vmem>>
      %dma_wait3A_137 = tpu.memref_squeeze %dma_wait3A_136 : memref<1x25x1x128xf32, #tpu.memory_space<vmem>> -> memref<25x1x128xf32, #tpu.memory_space<vmem>>
      %dma_wait3A_138 = arith.constant 0 : i32
      %dma_wait3A_139 = tpu.memref_slice %arg2[%select_n3A, %mul3A_29, %select_n3A_28, %dma_wait3A_138] : memref<6x12500x8x128xf32, #tpu.memory_space<hbm>> -> memref<1x25x1x128xf32, #tpu.memory_space<hbm>>
      %dma_wait3A_140 = tpu.memref_squeeze %dma_wait3A_139 : memref<1x25x1x128xf32, #tpu.memory_space<hbm>> -> memref<25x1x128xf32, #tpu.memory_space<hbm>>
      tpu.wait_dma2 semaphore(%dma_wait3A_132 : memref<!tpu.dma_semaphore, #tpu.memory_space<semaphore_mem>>) src(%dma_wait3A_140 : memref<25x1x128xf32, #tpu.memory_space<hbm>>) dst(%dma_wait3A_137 : memref<25x1x128xf32, #tpu.memory_space<vmem>>)
      %dma_wait3A_141 = arith.constant 0 : i32
      %dma_wait3A_142 = arith.constant 0 : i32
      %dma_wait3A_143 = arith.constant 0 : i32
      %dma_wait3A_144 = arith.constant 0 : i32
      %dma_wait3A_145 = arith.constant 0 : i32
      %dma_wait3A_146 = tpu.memref_slice %arg8[%dma_wait3A_141, %dma_wait3A_143, %dma_wait3A_144, %dma_wait3A_145] : memref<2x25x1x128xf32, #tpu.memory_space<vmem>> -> memref<1x25x1x128xf32, #tpu.memory_space<vmem>>
      %dma_wait3A_147 = tpu.memref_squeeze %dma_wait3A_146 : memref<1x25x1x128xf32, #tpu.memory_space<vmem>> -> memref<25x1x128xf32, #tpu.memory_space<vmem>>
      %dma_wait3A_148 = arith.constant 0 : i32
      %dma_wait3A_149 = tpu.memref_slice %arg2[%select_n3A, %mul3A_29, %select_n3A_28, %dma_wait3A_148] : memref<6x12500x8x128xf32, #tpu.memory_space<hbm>> -> memref<1x25x1x128xf32, #tpu.memory_space<hbm>>
      %dma_wait3A_150 = tpu.memref_squeeze %dma_wait3A_149 : memref<1x25x1x128xf32, #tpu.memory_space<hbm>> -> memref<25x1x128xf32, #tpu.memory_space<hbm>>
      %dma_wait3A_151 = tpu.memref_slice %arg11[%dma_wait3A_142] : memref<2x!tpu.dma_semaphore, #tpu.memory_space<semaphore_mem>> -> memref<1x!tpu.dma_semaphore, #tpu.memory_space<semaphore_mem>>
      %dma_wait3A_152 = tpu.memref_squeeze %dma_wait3A_151 : memref<1x!tpu.dma_semaphore, #tpu.memory_space<semaphore_mem>> -> memref<!tpu.dma_semaphore, #tpu.memory_space<semaphore_mem>>
      %dma_wait3A_153 = arith.constant 0 : i32
      %dma_wait3A_154 = arith.constant 0 : i32
      %dma_wait3A_155 = arith.constant 0 : i32
      %dma_wait3A_156 = tpu.memref_slice %arg8[%dma_wait3A_141, %dma_wait3A_153, %dma_wait3A_154, %dma_wait3A_155] : memref<2x25x1x128xf32, #tpu.memory_space<vmem>> -> memref<1x25x1x128xf32, #tpu.memory_space<vmem>>
      %dma_wait3A_157 = tpu.memref_squeeze %dma_wait3A_156 : memref<1x25x1x128xf32, #tpu.memory_space<vmem>> -> memref<25x1x128xf32, #tpu.memory_space<vmem>>
      %dma_wait3A_158 = arith.constant 0 : i32
      %dma_wait3A_159 = tpu.memref_slice %arg2[%select_n3A, %mul3A_29, %select_n3A_28, %dma_wait3A_158] : memref<6x12500x8x128xf32, #tpu.memory_space<hbm>> -> memref<1x25x1x128xf32, #tpu.memory_space<hbm>>
      %dma_wait3A_160 = tpu.memref_squeeze %dma_wait3A_159 : memref<1x25x1x128xf32, #tpu.memory_space<hbm>> -> memref<25x1x128xf32, #tpu.memory_space<hbm>>
      tpu.wait_dma2 semaphore(%dma_wait3A_152 : memref<!tpu.dma_semaphore, #tpu.memory_space<semaphore_mem>>) src(%dma_wait3A_160 : memref<25x1x128xf32, #tpu.memory_space<hbm>>) dst(%dma_wait3A_157 : memref<25x1x128xf32, #tpu.memory_space<vmem>>)
      %dma_wait3A_161 = arith.constant 0 : i32
      %dma_wait3A_162 = arith.constant 0 : i32
      %dma_wait3A_163 = arith.constant 0 : i32
      %dma_wait3A_164 = tpu.memref_slice %arg9[%dma_wait3A_161, %dma_wait3A_163] : memref<2x3200xi32, #tpu.memory_space<vmem>> -> memref<1x3200xi32, #tpu.memory_space<vmem>>
      %dma_wait3A_165 = tpu.memref_squeeze %dma_wait3A_164 : memref<1x3200xi32, #tpu.memory_space<vmem>> -> memref<3200xi32, #tpu.memory_space<vmem>>
      %dma_wait3A_166 = tpu.memref_slice %arg3[%mul3A_31] : memref<1600000xi32, #tpu.memory_space<hbm>> -> memref<3200xi32, #tpu.memory_space<hbm>>
      %dma_wait3A_167 = tpu.memref_slice %arg11[%dma_wait3A_162] : memref<2x!tpu.dma_semaphore, #tpu.memory_space<semaphore_mem>> -> memref<1x!tpu.dma_semaphore, #tpu.memory_space<semaphore_mem>>
      %dma_wait3A_168 = tpu.memref_squeeze %dma_wait3A_167 : memref<1x!tpu.dma_semaphore, #tpu.memory_space<semaphore_mem>> -> memref<!tpu.dma_semaphore, #tpu.memory_space<semaphore_mem>>
      %dma_wait3A_169 = arith.constant 0 : i32
      %dma_wait3A_170 = tpu.memref_slice %arg9[%dma_wait3A_161, %dma_wait3A_169] : memref<2x3200xi32, #tpu.memory_space<vmem>> -> memref<1x3200xi32, #tpu.memory_space<vmem>>
      %dma_wait3A_171 = tpu.memref_squeeze %dma_wait3A_170 : memref<1x3200xi32, #tpu.memory_space<vmem>> -> memref<3200xi32, #tpu.memory_space<vmem>>
      %dma_wait3A_172 = tpu.memref_slice %arg3[%mul3A_31] : memref<1600000xi32, #tpu.memory_space<hbm>> -> memref<3200xi32, #tpu.memory_space<hbm>>
      tpu.wait_dma2 semaphore(%dma_wait3A_168 : memref<!tpu.dma_semaphore, #tpu.memory_space<semaphore_mem>>) src(%dma_wait3A_172 : memref<3200xi32, #tpu.memory_space<hbm>>) dst(%dma_wait3A_171 : memref<3200xi32, #tpu.memory_space<vmem>>)
      %dma_wait3A_173 = arith.constant 0 : i32
      %dma_wait3A_174 = arith.constant 0 : i32
      %dma_wait3A_175 = arith.constant 0 : i32
      %dma_wait3A_176 = tpu.memref_slice %arg10[%dma_wait3A_173, %dma_wait3A_175] : memref<2x3200xi32, #tpu.memory_space<vmem>> -> memref<1x3200xi32, #tpu.memory_space<vmem>>
      %dma_wait3A_177 = tpu.memref_squeeze %dma_wait3A_176 : memref<1x3200xi32, #tpu.memory_space<vmem>> -> memref<3200xi32, #tpu.memory_space<vmem>>
      %dma_wait3A_178 = tpu.memref_slice %arg3[%mul3A_31] : memref<1600000xi32, #tpu.memory_space<hbm>> -> memref<3200xi32, #tpu.memory_space<hbm>>
      %dma_wait3A_179 = tpu.memref_slice %arg11[%dma_wait3A_174] : memref<2x!tpu.dma_semaphore, #tpu.memory_space<semaphore_mem>> -> memref<1x!tpu.dma_semaphore, #tpu.memory_space<semaphore_mem>>
      %dma_wait3A_180 = tpu.memref_squeeze %dma_wait3A_179 : memref<1x!tpu.dma_semaphore, #tpu.memory_space<semaphore_mem>> -> memref<!tpu.dma_semaphore, #tpu.memory_space<semaphore_mem>>
      %dma_wait3A_181 = arith.constant 0 : i32
      %dma_wait3A_182 = tpu.memref_slice %arg10[%dma_wait3A_173, %dma_wait3A_181] : memref<2x3200xi32, #tpu.memory_space<vmem>> -> memref<1x3200xi32, #tpu.memory_space<vmem>>
      %dma_wait3A_183 = tpu.memref_squeeze %dma_wait3A_182 : memref<1x3200xi32, #tpu.memory_space<vmem>> -> memref<3200xi32, #tpu.memory_space<vmem>>
      %dma_wait3A_184 = tpu.memref_slice %arg3[%mul3A_31] : memref<1600000xi32, #tpu.memory_space<hbm>> -> memref<3200xi32, #tpu.memory_space<hbm>>
      tpu.wait_dma2 semaphore(%dma_wait3A_180 : memref<!tpu.dma_semaphore, #tpu.memory_space<semaphore_mem>>) src(%dma_wait3A_184 : memref<3200xi32, #tpu.memory_space<hbm>>) dst(%dma_wait3A_183 : memref<3200xi32, #tpu.memory_space<vmem>>)
      %parallel_loop3A = arith.constant 0 : i32
      %parallel_loop3A_185 = arith.constant 25 : i32
      %parallel_loop3A_186 = arith.constant 1 : i32
      scf.for %parallel_loop3A_263 = %parallel_loop3A to %parallel_loop3A_185 step %parallel_loop3A_186  : i32 {
        %parallel_loop3A_264 = arith.constant 128 : i32
        %parallel_loop3A_265 = arith.muli %parallel_loop3A_263, %parallel_loop3A_264 : i32
        %parallel_loop3A_266 = arith.constant 0 : i32
        %parallel_loop3A_267 = arith.addi %parallel_loop3A_265, %parallel_loop3A_266 : i32
        %parallel_loop3A_268 = arith.constant 0 : i32
        %parallel_loop3A_269 = arith.index_cast %parallel_loop3A_268 : i32 to index
        %parallel_loop3A_270 = arith.index_cast %parallel_loop3A_267 : i32 to index
        %parallel_loop3A_271 = tpu.vector_load %arg9[%parallel_loop3A_269, %parallel_loop3A_270] {strides = array<i32>} : memref<2x3200xi32, #tpu.memory_space<vmem>>, vector<16xi32>,
        %parallel_loop3A_272 = arith.constant 0 : i32
        %parallel_loop3A_273 = arith.constant 0 : i32
        %parallel_loop3A_274 = arith.index_cast %parallel_loop3A_272 : i32 to index
        %parallel_loop3A_275 = arith.index_cast %parallel_loop3A_263 : i32 to index
        %parallel_loop3A_276 = arith.index_cast %parallel_loop3A_273 : i32 to index
        %parallel_loop3A_277 = arith.constant 0 : index
        %parallel_loop3A_278 = tpu.vector_load %arg7[%parallel_loop3A_274, %parallel_loop3A_275, %parallel_loop3A_276, %parallel_loop3A_277] {strides = array<i32>} : memref<2x25x1x128xf32, #tpu.memory_space<vmem>>, vector<16xf32>,
        %parallel_loop3A_279 = arith.constant 7 : i32
        %parallel_loop3A_280 = vector.broadcast %parallel_loop3A_279 : i32 to vector<16xi32>
        %parallel_loop3A_281 = arith.shrui %parallel_loop3A_271, %parallel_loop3A_280 : vector<16xi32>
        %parallel_loop3A_282 = arith.constant 127 : i32
        %parallel_loop3A_283 = vector.broadcast %parallel_loop3A_282 : i32 to vector<16xi32>
        %parallel_loop3A_284 = arith.andi %parallel_loop3A_271, %parallel_loop3A_283 : vector<16xi32>
        tpu.vector_store_idx %arg6[%parallel_loop3A_281, %parallel_loop3A_284], %parallel_loop3A_278 {add = true} : memref<391x128xf32, #tpu.memory_space<vmem>>[vector<16xi32>, vector<16xi32>], vector<16xf32>,
        %parallel_loop3A_285 = arith.constant 0 : i32
        %parallel_loop3A_286 = arith.index_cast %parallel_loop3A_285 : i32 to index
        %parallel_loop3A_287 = arith.index_cast %parallel_loop3A_267 : i32 to index
        %parallel_loop3A_288 = tpu.vector_load %arg10[%parallel_loop3A_286, %parallel_loop3A_287] {strides = array<i32>} : memref<2x3200xi32, #tpu.memory_space<vmem>>, vector<16xi32>,
        %parallel_loop3A_289 = arith.constant 0 : i32
        %parallel_loop3A_290 = arith.constant 0 : i32
        %parallel_loop3A_291 = arith.index_cast %parallel_loop3A_289 : i32 to index
        %parallel_loop3A_292 = arith.index_cast %parallel_loop3A_263 : i32 to index
        %parallel_loop3A_293 = arith.index_cast %parallel_loop3A_290 : i32 to index
        %parallel_loop3A_294 = arith.constant 0 : index
        %parallel_loop3A_295 = tpu.vector_load %arg8[%parallel_loop3A_291, %parallel_loop3A_292, %parallel_loop3A_293, %parallel_loop3A_294] {strides = array<i32>} : memref<2x25x1x128xf32, #tpu.memory_space<vmem>>, vector<16xf32>,
        %parallel_loop3A_296 = arith.constant 7 : i32
        %parallel_loop3A_297 = vector.broadcast %parallel_loop3A_296 : i32 to vector<16xi32>
        %parallel_loop3A_298 = arith.shrui %parallel_loop3A_288, %parallel_loop3A_297 : vector<16xi32>
        %parallel_loop3A_299 = arith.constant 127 : i32
        %parallel_loop3A_300 = vector.broadcast %parallel_loop3A_299 : i32 to vector<16xi32>
        %parallel_loop3A_301 = arith.andi %parallel_loop3A_288, %parallel_loop3A_300 : vector<16xi32>
        tpu.vector_store_idx %arg6[%parallel_loop3A_298, %parallel_loop3A_301], %parallel_loop3A_295 {add = true} : memref<391x128xf32, #tpu.memory_space<vmem>>[vector<16xi32>, vector<16xi32>], vector<16xf32>,
        %parallel_loop3A_302 = arith.constant 128 : i32
        %parallel_loop3A_303 = arith.muli %parallel_loop3A_263, %parallel_loop3A_302 : i32
        %parallel_loop3A_304 = arith.constant 16 : i32
        %parallel_loop3A_305 = arith.addi %parallel_loop3A_303, %parallel_loop3A_304 : i32
        %parallel_loop3A_306 = arith.constant 0 : i32
        %parallel_loop3A_307 = arith.index_cast %parallel_loop3A_306 : i32 to index
        %parallel_loop3A_308 = arith.index_cast %parallel_loop3A_305 : i32 to index
        %parallel_loop3A_309 = tpu.vector_load %arg9[%parallel_loop3A_307, %parallel_loop3A_308] {strides = array<i32>} : memref<2x3200xi32, #tpu.memory_space<vmem>>, vector<16xi32>,
        %parallel_loop3A_310 = arith.constant 0 : i32
        %parallel_loop3A_311 = arith.constant 0 : i32
        %parallel_loop3A_312 = arith.index_cast %parallel_loop3A_310 : i32 to index
        %parallel_loop3A_313 = arith.index_cast %parallel_loop3A_263 : i32 to index
        %parallel_loop3A_314 = arith.index_cast %parallel_loop3A_311 : i32 to index
        %parallel_loop3A_315 = arith.constant 16 : index
        %parallel_loop3A_316 = tpu.vector_load %arg7[%parallel_loop3A_312, %parallel_loop3A_313, %parallel_loop3A_314, %parallel_loop3A_315] {strides = array<i32>} : memref<2x25x1x128xf32, #tpu.memory_space<vmem>>, vector<16xf32>,
        %parallel_loop3A_317 = arith.constant 7 : i32
        %parallel_loop3A_318 = vector.broadcast %parallel_loop3A_317 : i32 to vector<16xi32>
        %parallel_loop3A_319 = arith.shrui %parallel_loop3A_309, %parallel_loop3A_318 : vector<16xi32>
        %parallel_loop3A_320 = arith.constant 127 : i32
        %parallel_loop3A_321 = vector.broadcast %parallel_loop3A_320 : i32 to vector<16xi32>
        %parallel_loop3A_322 = arith.andi %parallel_loop3A_309, %parallel_loop3A_321 : vector<16xi32>
        tpu.vector_store_idx %arg6[%parallel_loop3A_319, %parallel_loop3A_322], %parallel_loop3A_316 {add = true} : memref<391x128xf32, #tpu.memory_space<vmem>>[vector<16xi32>, vector<16xi32>], vector<16xf32>,
        %parallel_loop3A_323 = arith.constant 0 : i32
        %parallel_loop3A_324 = arith.index_cast %parallel_loop3A_323 : i32 to index
        %parallel_loop3A_325 = arith.index_cast %parallel_loop3A_305 : i32 to index
        %parallel_loop3A_326 = tpu.vector_load %arg10[%parallel_loop3A_324, %parallel_loop3A_325] {strides = array<i32>} : memref<2x3200xi32, #tpu.memory_space<vmem>>, vector<16xi32>,
        %parallel_loop3A_327 = arith.constant 0 : i32
        %parallel_loop3A_328 = arith.constant 0 : i32
        %parallel_loop3A_329 = arith.index_cast %parallel_loop3A_327 : i32 to index
        %parallel_loop3A_330 = arith.index_cast %parallel_loop3A_263 : i32 to index
        %parallel_loop3A_331 = arith.index_cast %parallel_loop3A_328 : i32 to index
        %parallel_loop3A_332 = arith.constant 16 : index
        %parallel_loop3A_333 = tpu.vector_load %arg8[%parallel_loop3A_329, %parallel_loop3A_330, %parallel_loop3A_331, %parallel_loop3A_332] {strides = array<i32>} : memref<2x25x1x128xf32, #tpu.memory_space<vmem>>, vector<16xf32>,
        %parallel_loop3A_334 = arith.constant 7 : i32
        %parallel_loop3A_335 = vector.broadcast %parallel_loop3A_334 : i32 to vector<16xi32>
        %parallel_loop3A_336 = arith.shrui %parallel_loop3A_326, %parallel_loop3A_335 : vector<16xi32>
        %parallel_loop3A_337 = arith.constant 127 : i32
        %parallel_loop3A_338 = vector.broadcast %parallel_loop3A_337 : i32 to vector<16xi32>
        %parallel_loop3A_339 = arith.andi %parallel_loop3A_326, %parallel_loop3A_338 : vector<16xi32>
        tpu.vector_store_idx %arg6[%parallel_loop3A_336, %parallel_loop3A_339], %parallel_loop3A_333 {add = true} : memref<391x128xf32, #tpu.memory_space<vmem>>[vector<16xi32>, vector<16xi32>], vector<16xf32>,
        %parallel_loop3A_340 = arith.constant 128 : i32
        %parallel_loop3A_341 = arith.muli %parallel_loop3A_263, %parallel_loop3A_340 : i32
        %parallel_loop3A_342 = arith.constant 32 : i32
        %parallel_loop3A_343 = arith.addi %parallel_loop3A_341, %parallel_loop3A_342 : i32
        %parallel_loop3A_344 = arith.constant 0 : i32
        %parallel_loop3A_345 = arith.index_cast %parallel_loop3A_344 : i32 to index
        %parallel_loop3A_346 = arith.index_cast %parallel_loop3A_343 : i32 to index
        %parallel_loop3A_347 = tpu.vector_load %arg9[%parallel_loop3A_345, %parallel_loop3A_346] {strides = array<i32>} : memref<2x3200xi32, #tpu.memory_space<vmem>>, vector<16xi32>,
        %parallel_loop3A_348 = arith.constant 0 : i32
        %parallel_loop3A_349 = arith.constant 0 : i32
        %parallel_loop3A_350 = arith.index_cast %parallel_loop3A_348 : i32 to index
        %parallel_loop3A_351 = arith.index_cast %parallel_loop3A_263 : i32 to index
        %parallel_loop3A_352 = arith.index_cast %parallel_loop3A_349 : i32 to index
        %parallel_loop3A_353 = arith.constant 32 : index
        %parallel_loop3A_354 = tpu.vector_load %arg7[%parallel_loop3A_350, %parallel_loop3A_351, %parallel_loop3A_352, %parallel_loop3A_353] {strides = array<i32>} : memref<2x25x1x128xf32, #tpu.memory_space<vmem>>, vector<16xf32>,
        %parallel_loop3A_355 = arith.constant 7 : i32
        %parallel_loop3A_356 = vector.broadcast %parallel_loop3A_355 : i32 to vector<16xi32>
        %parallel_loop3A_357 = arith.shrui %parallel_loop3A_347, %parallel_loop3A_356 : vector<16xi32>
        %parallel_loop3A_358 = arith.constant 127 : i32
        %parallel_loop3A_359 = vector.broadcast %parallel_loop3A_358 : i32 to vector<16xi32>
        %parallel_loop3A_360 = arith.andi %parallel_loop3A_347, %parallel_loop3A_359 : vector<16xi32>
        tpu.vector_store_idx %arg6[%parallel_loop3A_357, %parallel_loop3A_360], %parallel_loop3A_354 {add = true} : memref<391x128xf32, #tpu.memory_space<vmem>>[vector<16xi32>, vector<16xi32>], vector<16xf32>,
        %parallel_loop3A_361 = arith.constant 0 : i32
        %parallel_loop3A_362 = arith.index_cast %parallel_loop3A_361 : i32 to index
        %parallel_loop3A_363 = arith.index_cast %parallel_loop3A_343 : i32 to index
        %parallel_loop3A_364 = tpu.vector_load %arg10[%parallel_loop3A_362, %parallel_loop3A_363] {strides = array<i32>} : memref<2x3200xi32, #tpu.memory_space<vmem>>, vector<16xi32>,
        %parallel_loop3A_365 = arith.constant 0 : i32
        %parallel_loop3A_366 = arith.constant 0 : i32
        %parallel_loop3A_367 = arith.index_cast %parallel_loop3A_365 : i32 to index
        %parallel_loop3A_368 = arith.index_cast %parallel_loop3A_263 : i32 to index
        %parallel_loop3A_369 = arith.index_cast %parallel_loop3A_366 : i32 to index
        %parallel_loop3A_370 = arith.constant 32 : index
        %parallel_loop3A_371 = tpu.vector_load %arg8[%parallel_loop3A_367, %parallel_loop3A_368, %parallel_loop3A_369, %parallel_loop3A_370] {strides = array<i32>} : memref<2x25x1x128xf32, #tpu.memory_space<vmem>>, vector<16xf32>,
        %parallel_loop3A_372 = arith.constant 7 : i32
        %parallel_loop3A_373 = vector.broadcast %parallel_loop3A_372 : i32 to vector<16xi32>
        %parallel_loop3A_374 = arith.shrui %parallel_loop3A_364, %parallel_loop3A_373 : vector<16xi32>
        %parallel_loop3A_375 = arith.constant 127 : i32
        %parallel_loop3A_376 = vector.broadcast %parallel_loop3A_375 : i32 to vector<16xi32>
        %parallel_loop3A_377 = arith.andi %parallel_loop3A_364, %parallel_loop3A_376 : vector<16xi32>
        tpu.vector_store_idx %arg6[%parallel_loop3A_374, %parallel_loop3A_377], %parallel_loop3A_371 {add = true} : memref<391x128xf32, #tpu.memory_space<vmem>>[vector<16xi32>, vector<16xi32>], vector<16xf32>,
        %parallel_loop3A_378 = arith.constant 128 : i32
        %parallel_loop3A_379 = arith.muli %parallel_loop3A_263, %parallel_loop3A_378 : i32
        %parallel_loop3A_380 = arith.constant 48 : i32
        %parallel_loop3A_381 = arith.addi %parallel_loop3A_379, %parallel_loop3A_380 : i32
        %parallel_loop3A_382 = arith.constant 0 : i32
        %parallel_loop3A_383 = arith.index_cast %parallel_loop3A_382 : i32 to index
        %parallel_loop3A_384 = arith.index_cast %parallel_loop3A_381 : i32 to index
        %parallel_loop3A_385 = tpu.vector_load %arg9[%parallel_loop3A_383, %parallel_loop3A_384] {strides = array<i32>} : memref<2x3200xi32, #tpu.memory_space<vmem>>, vector<16xi32>,
        %parallel_loop3A_386 = arith.constant 0 : i32
        %parallel_loop3A_387 = arith.constant 0 : i32
        %parallel_loop3A_388 = arith.index_cast %parallel_loop3A_386 : i32 to index
        %parallel_loop3A_389 = arith.index_cast %parallel_loop3A_263 : i32 to index
        %parallel_loop3A_390 = arith.index_cast %parallel_loop3A_387 : i32 to index
        %parallel_loop3A_391 = arith.constant 48 : index
        %parallel_loop3A_392 = tpu.vector_load %arg7[%parallel_loop3A_388, %parallel_loop3A_389, %parallel_loop3A_390, %parallel_loop3A_391] {strides = array<i32>} : memref<2x25x1x128xf32, #tpu.memory_space<vmem>>, vector<16xf32>,
        %parallel_loop3A_393 = arith.constant 7 : i32
        %parallel_loop3A_394 = vector.broadcast %parallel_loop3A_393 : i32 to vector<16xi32>
        %parallel_loop3A_395 = arith.shrui %parallel_loop3A_385, %parallel_loop3A_394 : vector<16xi32>
        %parallel_loop3A_396 = arith.constant 127 : i32
        %parallel_loop3A_397 = vector.broadcast %parallel_loop3A_396 : i32 to vector<16xi32>
        %parallel_loop3A_398 = arith.andi %parallel_loop3A_385, %parallel_loop3A_397 : vector<16xi32>
        tpu.vector_store_idx %arg6[%parallel_loop3A_395, %parallel_loop3A_398], %parallel_loop3A_392 {add = true} : memref<391x128xf32, #tpu.memory_space<vmem>>[vector<16xi32>, vector<16xi32>], vector<16xf32>,
        %parallel_loop3A_399 = arith.constant 0 : i32
        %parallel_loop3A_400 = arith.index_cast %parallel_loop3A_399 : i32 to index
        %parallel_loop3A_401 = arith.index_cast %parallel_loop3A_381 : i32 to index
        %parallel_loop3A_402 = tpu.vector_load %arg10[%parallel_loop3A_400, %parallel_loop3A_401] {strides = array<i32>} : memref<2x3200xi32, #tpu.memory_space<vmem>>, vector<16xi32>,
        %parallel_loop3A_403 = arith.constant 0 : i32
        %parallel_loop3A_404 = arith.constant 0 : i32
        %parallel_loop3A_405 = arith.index_cast %parallel_loop3A_403 : i32 to index
        %parallel_loop3A_406 = arith.index_cast %parallel_loop3A_263 : i32 to index
        %parallel_loop3A_407 = arith.index_cast %parallel_loop3A_404 : i32 to index
        %parallel_loop3A_408 = arith.constant 48 : index
        %parallel_loop3A_409 = tpu.vector_load %arg8[%parallel_loop3A_405, %parallel_loop3A_406, %parallel_loop3A_407, %parallel_loop3A_408] {strides = array<i32>} : memref<2x25x1x128xf32, #tpu.memory_space<vmem>>, vector<16xf32>,
        %parallel_loop3A_410 = arith.constant 7 : i32
        %parallel_loop3A_411 = vector.broadcast %parallel_loop3A_410 : i32 to vector<16xi32>
        %parallel_loop3A_412 = arith.shrui %parallel_loop3A_402, %parallel_loop3A_411 : vector<16xi32>
        %parallel_loop3A_413 = arith.constant 127 : i32
        %parallel_loop3A_414 = vector.broadcast %parallel_loop3A_413 : i32 to vector<16xi32>
        %parallel_loop3A_415 = arith.andi %parallel_loop3A_402, %parallel_loop3A_414 : vector<16xi32>
        tpu.vector_store_idx %arg6[%parallel_loop3A_412, %parallel_loop3A_415], %parallel_loop3A_409 {add = true} : memref<391x128xf32, #tpu.memory_space<vmem>>[vector<16xi32>, vector<16xi32>], vector<16xf32>,
        %parallel_loop3A_416 = arith.constant 128 : i32
        %parallel_loop3A_417 = arith.muli %parallel_loop3A_263, %parallel_loop3A_416 : i32
        %parallel_loop3A_418 = arith.constant 64 : i32
        %parallel_loop3A_419 = arith.addi %parallel_loop3A_417, %parallel_loop3A_418 : i32
        %parallel_loop3A_420 = arith.constant 0 : i32
        %parallel_loop3A_421 = arith.index_cast %parallel_loop3A_420 : i32 to index
        %parallel_loop3A_422 = arith.index_cast %parallel_loop3A_419 : i32 to index
        %parallel_loop3A_423 = tpu.vector_load %arg9[%parallel_loop3A_421, %parallel_loop3A_422] {strides = array<i32>} : memref<2x3200xi32, #tpu.memory_space<vmem>>, vector<16xi32>,
        %parallel_loop3A_424 = arith.constant 0 : i32
        %parallel_loop3A_425 = arith.constant 0 : i32
        %parallel_loop3A_426 = arith.index_cast %parallel_loop3A_424 : i32 to index
        %parallel_loop3A_427 = arith.index_cast %parallel_loop3A_263 : i32 to index
        %parallel_loop3A_428 = arith.index_cast %parallel_loop3A_425 : i32 to index
        %parallel_loop3A_429 = arith.constant 64 : index
        %parallel_loop3A_430 = tpu.vector_load %arg7[%parallel_loop3A_426, %parallel_loop3A_427, %parallel_loop3A_428, %parallel_loop3A_429] {strides = array<i32>} : memref<2x25x1x128xf32, #tpu.memory_space<vmem>>, vector<16xf32>,
        %parallel_loop3A_431 = arith.constant 7 : i32
        %parallel_loop3A_432 = vector.broadcast %parallel_loop3A_431 : i32 to vector<16xi32>
        %parallel_loop3A_433 = arith.shrui %parallel_loop3A_423, %parallel_loop3A_432 : vector<16xi32>
        %parallel_loop3A_434 = arith.constant 127 : i32
        %parallel_loop3A_435 = vector.broadcast %parallel_loop3A_434 : i32 to vector<16xi32>
        %parallel_loop3A_436 = arith.andi %parallel_loop3A_423, %parallel_loop3A_435 : vector<16xi32>
        tpu.vector_store_idx %arg6[%parallel_loop3A_433, %parallel_loop3A_436], %parallel_loop3A_430 {add = true} : memref<391x128xf32, #tpu.memory_space<vmem>>[vector<16xi32>, vector<16xi32>], vector<16xf32>,
        %parallel_loop3A_437 = arith.constant 0 : i32
        %parallel_loop3A_438 = arith.index_cast %parallel_loop3A_437 : i32 to index
        %parallel_loop3A_439 = arith.index_cast %parallel_loop3A_419 : i32 to index
        %parallel_loop3A_440 = tpu.vector_load %arg10[%parallel_loop3A_438, %parallel_loop3A_439] {strides = array<i32>} : memref<2x3200xi32, #tpu.memory_space<vmem>>, vector<16xi32>,
        %parallel_loop3A_441 = arith.constant 0 : i32
        %parallel_loop3A_442 = arith.constant 0 : i32
        %parallel_loop3A_443 = arith.index_cast %parallel_loop3A_441 : i32 to index
        %parallel_loop3A_444 = arith.index_cast %parallel_loop3A_263 : i32 to index
        %parallel_loop3A_445 = arith.index_cast %parallel_loop3A_442 : i32 to index
        %parallel_loop3A_446 = arith.constant 64 : index
        %parallel_loop3A_447 = tpu.vector_load %arg8[%parallel_loop3A_443, %parallel_loop3A_444, %parallel_loop3A_445, %parallel_loop3A_446] {strides = array<i32>} : memref<2x25x1x128xf32, #tpu.memory_space<vmem>>, vector<16xf32>,
        %parallel_loop3A_448 = arith.constant 7 : i32
        %parallel_loop3A_449 = vector.broadcast %parallel_loop3A_448 : i32 to vector<16xi32>
        %parallel_loop3A_450 = arith.shrui %parallel_loop3A_440, %parallel_loop3A_449 : vector<16xi32>
        %parallel_loop3A_451 = arith.constant 127 : i32
        %parallel_loop3A_452 = vector.broadcast %parallel_loop3A_451 : i32 to vector<16xi32>
        %parallel_loop3A_453 = arith.andi %parallel_loop3A_440, %parallel_loop3A_452 : vector<16xi32>
        tpu.vector_store_idx %arg6[%parallel_loop3A_450, %parallel_loop3A_453], %parallel_loop3A_447 {add = true} : memref<391x128xf32, #tpu.memory_space<vmem>>[vector<16xi32>, vector<16xi32>], vector<16xf32>,
        %parallel_loop3A_454 = arith.constant 128 : i32
        %parallel_loop3A_455 = arith.muli %parallel_loop3A_263, %parallel_loop3A_454 : i32
        %parallel_loop3A_456 = arith.constant 80 : i32
        %parallel_loop3A_457 = arith.addi %parallel_loop3A_455, %parallel_loop3A_456 : i32
        %parallel_loop3A_458 = arith.constant 0 : i32
        %parallel_loop3A_459 = arith.index_cast %parallel_loop3A_458 : i32 to index
        %parallel_loop3A_460 = arith.index_cast %parallel_loop3A_457 : i32 to index
        %parallel_loop3A_461 = tpu.vector_load %arg9[%parallel_loop3A_459, %parallel_loop3A_460] {strides = array<i32>} : memref<2x3200xi32, #tpu.memory_space<vmem>>, vector<16xi32>,
        %parallel_loop3A_462 = arith.constant 0 : i32
        %parallel_loop3A_463 = arith.constant 0 : i32
        %parallel_loop3A_464 = arith.index_cast %parallel_loop3A_462 : i32 to index
        %parallel_loop3A_465 = arith.index_cast %parallel_loop3A_263 : i32 to index
        %parallel_loop3A_466 = arith.index_cast %parallel_loop3A_463 : i32 to index
        %parallel_loop3A_467 = arith.constant 80 : index
        %parallel_loop3A_468 = tpu.vector_load %arg7[%parallel_loop3A_464, %parallel_loop3A_465, %parallel_loop3A_466, %parallel_loop3A_467] {strides = array<i32>} : memref<2x25x1x128xf32, #tpu.memory_space<vmem>>, vector<16xf32>,
        %parallel_loop3A_469 = arith.constant 7 : i32
        %parallel_loop3A_470 = vector.broadcast %parallel_loop3A_469 : i32 to vector<16xi32>
        %parallel_loop3A_471 = arith.shrui %parallel_loop3A_461, %parallel_loop3A_470 : vector<16xi32>
        %parallel_loop3A_472 = arith.constant 127 : i32
        %parallel_loop3A_473 = vector.broadcast %parallel_loop3A_472 : i32 to vector<16xi32>
        %parallel_loop3A_474 = arith.andi %parallel_loop3A_461, %parallel_loop3A_473 : vector<16xi32>
        tpu.vector_store_idx %arg6[%parallel_loop3A_471, %parallel_loop3A_474], %parallel_loop3A_468 {add = true} : memref<391x128xf32, #tpu.memory_space<vmem>>[vector<16xi32>, vector<16xi32>], vector<16xf32>,
        %parallel_loop3A_475 = arith.constant 0 : i32
        %parallel_loop3A_476 = arith.index_cast %parallel_loop3A_475 : i32 to index
        %parallel_loop3A_477 = arith.index_cast %parallel_loop3A_457 : i32 to index
        %parallel_loop3A_478 = tpu.vector_load %arg10[%parallel_loop3A_476, %parallel_loop3A_477] {strides = array<i32>} : memref<2x3200xi32, #tpu.memory_space<vmem>>, vector<16xi32>,
        %parallel_loop3A_479 = arith.constant 0 : i32
        %parallel_loop3A_480 = arith.constant 0 : i32
        %parallel_loop3A_481 = arith.index_cast %parallel_loop3A_479 : i32 to index
        %parallel_loop3A_482 = arith.index_cast %parallel_loop3A_263 : i32 to index
        %parallel_loop3A_483 = arith.index_cast %parallel_loop3A_480 : i32 to index
        %parallel_loop3A_484 = arith.constant 80 : index
        %parallel_loop3A_485 = tpu.vector_load %arg8[%parallel_loop3A_481, %parallel_loop3A_482, %parallel_loop3A_483, %parallel_loop3A_484] {strides = array<i32>} : memref<2x25x1x128xf32, #tpu.memory_space<vmem>>, vector<16xf32>,
        %parallel_loop3A_486 = arith.constant 7 : i32
        %parallel_loop3A_487 = vector.broadcast %parallel_loop3A_486 : i32 to vector<16xi32>
        %parallel_loop3A_488 = arith.shrui %parallel_loop3A_478, %parallel_loop3A_487 : vector<16xi32>
        %parallel_loop3A_489 = arith.constant 127 : i32
        %parallel_loop3A_490 = vector.broadcast %parallel_loop3A_489 : i32 to vector<16xi32>
        %parallel_loop3A_491 = arith.andi %parallel_loop3A_478, %parallel_loop3A_490 : vector<16xi32>
        tpu.vector_store_idx %arg6[%parallel_loop3A_488, %parallel_loop3A_491], %parallel_loop3A_485 {add = true} : memref<391x128xf32, #tpu.memory_space<vmem>>[vector<16xi32>, vector<16xi32>], vector<16xf32>,
        %parallel_loop3A_492 = arith.constant 128 : i32
        %parallel_loop3A_493 = arith.muli %parallel_loop3A_263, %parallel_loop3A_492 : i32
        %parallel_loop3A_494 = arith.constant 96 : i32
        %parallel_loop3A_495 = arith.addi %parallel_loop3A_493, %parallel_loop3A_494 : i32
        %parallel_loop3A_496 = arith.constant 0 : i32
        %parallel_loop3A_497 = arith.index_cast %parallel_loop3A_496 : i32 to index
        %parallel_loop3A_498 = arith.index_cast %parallel_loop3A_495 : i32 to index
        %parallel_loop3A_499 = tpu.vector_load %arg9[%parallel_loop3A_497, %parallel_loop3A_498] {strides = array<i32>} : memref<2x3200xi32, #tpu.memory_space<vmem>>, vector<16xi32>,
        %parallel_loop3A_500 = arith.constant 0 : i32
        %parallel_loop3A_501 = arith.constant 0 : i32
        %parallel_loop3A_502 = arith.index_cast %parallel_loop3A_500 : i32 to index
        %parallel_loop3A_503 = arith.index_cast %parallel_loop3A_263 : i32 to index
        %parallel_loop3A_504 = arith.index_cast %parallel_loop3A_501 : i32 to index
        %parallel_loop3A_505 = arith.constant 96 : index
        %parallel_loop3A_506 = tpu.vector_load %arg7[%parallel_loop3A_502, %parallel_loop3A_503, %parallel_loop3A_504, %parallel_loop3A_505] {strides = array<i32>} : memref<2x25x1x128xf32, #tpu.memory_space<vmem>>, vector<16xf32>,
        %parallel_loop3A_507 = arith.constant 7 : i32
        %parallel_loop3A_508 = vector.broadcast %parallel_loop3A_507 : i32 to vector<16xi32>
        %parallel_loop3A_509 = arith.shrui %parallel_loop3A_499, %parallel_loop3A_508 : vector<16xi32>
        %parallel_loop3A_510 = arith.constant 127 : i32
        %parallel_loop3A_511 = vector.broadcast %parallel_loop3A_510 : i32 to vector<16xi32>
        %parallel_loop3A_512 = arith.andi %parallel_loop3A_499, %parallel_loop3A_511 : vector<16xi32>
        tpu.vector_store_idx %arg6[%parallel_loop3A_509, %parallel_loop3A_512], %parallel_loop3A_506 {add = true} : memref<391x128xf32, #tpu.memory_space<vmem>>[vector<16xi32>, vector<16xi32>], vector<16xf32>,
        %parallel_loop3A_513 = arith.constant 0 : i32
        %parallel_loop3A_514 = arith.index_cast %parallel_loop3A_513 : i32 to index
        %parallel_loop3A_515 = arith.index_cast %parallel_loop3A_495 : i32 to index
        %parallel_loop3A_516 = tpu.vector_load %arg10[%parallel_loop3A_514, %parallel_loop3A_515] {strides = array<i32>} : memref<2x3200xi32, #tpu.memory_space<vmem>>, vector<16xi32>,
        %parallel_loop3A_517 = arith.constant 0 : i32
        %parallel_loop3A_518 = arith.constant 0 : i32
        %parallel_loop3A_519 = arith.index_cast %parallel_loop3A_517 : i32 to index
        %parallel_loop3A_520 = arith.index_cast %parallel_loop3A_263 : i32 to index
        %parallel_loop3A_521 = arith.index_cast %parallel_loop3A_518 : i32 to index
        %parallel_loop3A_522 = arith.constant 96 : index
        %parallel_loop3A_523 = tpu.vector_load %arg8[%parallel_loop3A_519, %parallel_loop3A_520, %parallel_loop3A_521, %parallel_loop3A_522] {strides = array<i32>} : memref<2x25x1x128xf32, #tpu.memory_space<vmem>>, vector<16xf32>,
        %parallel_loop3A_524 = arith.constant 7 : i32
        %parallel_loop3A_525 = vector.broadcast %parallel_loop3A_524 : i32 to vector<16xi32>
        %parallel_loop3A_526 = arith.shrui %parallel_loop3A_516, %parallel_loop3A_525 : vector<16xi32>
        %parallel_loop3A_527 = arith.constant 127 : i32
        %parallel_loop3A_528 = vector.broadcast %parallel_loop3A_527 : i32 to vector<16xi32>
        %parallel_loop3A_529 = arith.andi %parallel_loop3A_516, %parallel_loop3A_528 : vector<16xi32>
        tpu.vector_store_idx %arg6[%parallel_loop3A_526, %parallel_loop3A_529], %parallel_loop3A_523 {add = true} : memref<391x128xf32, #tpu.memory_space<vmem>>[vector<16xi32>, vector<16xi32>], vector<16xf32>,
        %parallel_loop3A_530 = arith.constant 128 : i32
        %parallel_loop3A_531 = arith.muli %parallel_loop3A_263, %parallel_loop3A_530 : i32
        %parallel_loop3A_532 = arith.constant 112 : i32
        %parallel_loop3A_533 = arith.addi %parallel_loop3A_531, %parallel_loop3A_532 : i32
        %parallel_loop3A_534 = arith.constant 0 : i32
        %parallel_loop3A_535 = arith.index_cast %parallel_loop3A_534 : i32 to index
        %parallel_loop3A_536 = arith.index_cast %parallel_loop3A_533 : i32 to index
        %parallel_loop3A_537 = tpu.vector_load %arg9[%parallel_loop3A_535, %parallel_loop3A_536] {strides = array<i32>} : memref<2x3200xi32, #tpu.memory_space<vmem>>, vector<16xi32>,
        %parallel_loop3A_538 = arith.constant 0 : i32
        %parallel_loop3A_539 = arith.constant 0 : i32
        %parallel_loop3A_540 = arith.index_cast %parallel_loop3A_538 : i32 to index
        %parallel_loop3A_541 = arith.index_cast %parallel_loop3A_263 : i32 to index
        %parallel_loop3A_542 = arith.index_cast %parallel_loop3A_539 : i32 to index
        %parallel_loop3A_543 = arith.constant 112 : index
        %parallel_loop3A_544 = tpu.vector_load %arg7[%parallel_loop3A_540, %parallel_loop3A_541, %parallel_loop3A_542, %parallel_loop3A_543] {strides = array<i32>} : memref<2x25x1x128xf32, #tpu.memory_space<vmem>>, vector<16xf32>,
        %parallel_loop3A_545 = arith.constant 7 : i32
        %parallel_loop3A_546 = vector.broadcast %parallel_loop3A_545 : i32 to vector<16xi32>
        %parallel_loop3A_547 = arith.shrui %parallel_loop3A_537, %parallel_loop3A_546 : vector<16xi32>
        %parallel_loop3A_548 = arith.constant 127 : i32
        %parallel_loop3A_549 = vector.broadcast %parallel_loop3A_548 : i32 to vector<16xi32>
        %parallel_loop3A_550 = arith.andi %parallel_loop3A_537, %parallel_loop3A_549 : vector<16xi32>
        tpu.vector_store_idx %arg6[%parallel_loop3A_547, %parallel_loop3A_550], %parallel_loop3A_544 {add = true} : memref<391x128xf32, #tpu.memory_space<vmem>>[vector<16xi32>, vector<16xi32>], vector<16xf32>,
        %parallel_loop3A_551 = arith.constant 0 : i32
        %parallel_loop3A_552 = arith.index_cast %parallel_loop3A_551 : i32 to index
        %parallel_loop3A_553 = arith.index_cast %parallel_loop3A_533 : i32 to index
        %parallel_loop3A_554 = tpu.vector_load %arg10[%parallel_loop3A_552, %parallel_loop3A_553] {strides = array<i32>} : memref<2x3200xi32, #tpu.memory_space<vmem>>, vector<16xi32>,
        %parallel_loop3A_555 = arith.constant 0 : i32
        %parallel_loop3A_556 = arith.constant 0 : i32
        %parallel_loop3A_557 = arith.index_cast %parallel_loop3A_555 : i32 to index
        %parallel_loop3A_558 = arith.index_cast %parallel_loop3A_263 : i32 to index
        %parallel_loop3A_559 = arith.index_cast %parallel_loop3A_556 : i32 to index
        %parallel_loop3A_560 = arith.constant 112 : index
        %parallel_loop3A_561 = tpu.vector_load %arg8[%parallel_loop3A_557, %parallel_loop3A_558, %parallel_loop3A_559, %parallel_loop3A_560] {strides = array<i32>} : memref<2x25x1x128xf32, #tpu.memory_space<vmem>>, vector<16xf32>,
        %parallel_loop3A_562 = arith.constant 7 : i32
        %parallel_loop3A_563 = vector.broadcast %parallel_loop3A_562 : i32 to vector<16xi32>
        %parallel_loop3A_564 = arith.shrui %parallel_loop3A_554, %parallel_loop3A_563 : vector<16xi32>
        %parallel_loop3A_565 = arith.constant 127 : i32
        %parallel_loop3A_566 = vector.broadcast %parallel_loop3A_565 : i32 to vector<16xi32>
        %parallel_loop3A_567 = arith.andi %parallel_loop3A_554, %parallel_loop3A_566 : vector<16xi32>
        tpu.vector_store_idx %arg6[%parallel_loop3A_564, %parallel_loop3A_567], %parallel_loop3A_561 {add = true} : memref<391x128xf32, #tpu.memory_space<vmem>>[vector<16xi32>, vector<16xi32>], vector<16xf32>,
      } {sc.loop_unroll_factor = 4 : i64, sc.parallel_access}
      %add3A_187 = arith.constant 1 : i32
      %add3A_188 = arith.addi %add3A_114, %add3A_187 : i32
      %add3A_189 = arith.constant 1 : i32
      %add3A_190 = arith.addi %add3A_188, %add3A_189 : i32
      %lt3A_191 = arith.constant 250 : i32
      %lt3A_192 = arith.cmpi slt, %add3A_190, %lt3A_191 : i32
      %convert_element_type3A_193 = arith.extui %lt3A_192 : i1 to i32
      %cond3A_194 = arith.constant 0 : i32
      %cond3A_195 = arith.cmpi ne, %convert_element_type3A_193, %cond3A_194 : i32
      scf.if %cond3A_195 {
        %add3A_263 = arith.constant 1 : i32
        %add3A_264 = arith.addi %add3A_188, %add3A_263 : i32
        %mul3A_265 = arith.constant 25 : i32
        %mul3A_266 = arith.muli %add3A_264, %mul3A_265 : i32
        %add3A_267 = arith.addi %mul3A_29, %mul3A_266 : i32
        %mul3A_268 = arith.constant 3200 : i32
        %mul3A_269 = arith.muli %add3A_264, %mul3A_268 : i32
        %add3A_270 = arith.addi %mul3A_31, %mul3A_269 : i32
        %dma_start3A_271 = arith.constant 0 : i32
        %dma_start3A_272 = arith.constant 0 : i32
        %dma_start3A_273 = arith.constant 0 : i32
        %dma_start3A_274 = arith.constant 0 : i32
        %dma_start3A_275 = arith.constant 0 : i32
        %dma_start3A_276 = tpu.memref_slice %arg7[%dma_start3A_271, %dma_start3A_273, %dma_start3A_274, %dma_start3A_275] : memref<2x25x1x128xf32, #tpu.memory_space<vmem>> -> memref<1x25x1x128xf32, #tpu.memory_space<vmem>>
        %dma_start3A_277 = tpu.memref_squeeze %dma_start3A_276 : memref<1x25x1x128xf32, #tpu.memory_space<vmem>> -> memref<25x1x128xf32, #tpu.memory_space<vmem>>
        %dma_start3A_278 = arith.constant 0 : i32
        %dma_start3A_279 = tpu.memref_slice %arg2[%select_n3A, %add3A_267, %select_n3A_28, %dma_start3A_278] : memref<6x12500x8x128xf32, #tpu.memory_space<hbm>> -> memref<1x25x1x128xf32, #tpu.memory_space<hbm>>
        %dma_start3A_280 = tpu.memref_squeeze %dma_start3A_279 : memref<1x25x1x128xf32, #tpu.memory_space<hbm>> -> memref<25x1x128xf32, #tpu.memory_space<hbm>>
        %dma_start3A_281 = tpu.memref_slice %arg11[%dma_start3A_272] : memref<2x!tpu.dma_semaphore, #tpu.memory_space<semaphore_mem>> -> memref<1x!tpu.dma_semaphore, #tpu.memory_space<semaphore_mem>>
        %dma_start3A_282 = tpu.memref_squeeze %dma_start3A_281 : memref<1x!tpu.dma_semaphore, #tpu.memory_space<semaphore_mem>> -> memref<!tpu.dma_semaphore, #tpu.memory_space<semaphore_mem>>
        %dma_start3A_283 = arith.constant 0 : i32
        %dma_start3A_284 = arith.constant 0 : i32
        %dma_start3A_285 = arith.constant 0 : i32
        %dma_start3A_286 = tpu.memref_slice %arg7[%dma_start3A_271, %dma_start3A_283, %dma_start3A_284, %dma_start3A_285] : memref<2x25x1x128xf32, #tpu.memory_space<vmem>> -> memref<1x25x1x128xf32, #tpu.memory_space<vmem>>
        %dma_start3A_287 = tpu.memref_squeeze %dma_start3A_286 : memref<1x25x1x128xf32, #tpu.memory_space<vmem>> -> memref<25x1x128xf32, #tpu.memory_space<vmem>>
        %dma_start3A_288 = arith.constant 0 : i32
        %dma_start3A_289 = tpu.memref_slice %arg2[%select_n3A, %add3A_267, %select_n3A_28, %dma_start3A_288] : memref<6x12500x8x128xf32, #tpu.memory_space<hbm>> -> memref<1x25x1x128xf32, #tpu.memory_space<hbm>>
        %dma_start3A_290 = tpu.memref_squeeze %dma_start3A_289 : memref<1x25x1x128xf32, #tpu.memory_space<hbm>> -> memref<25x1x128xf32, #tpu.memory_space<hbm>>
        tpu.enqueue_dma source(%dma_start3A_290 : memref<25x1x128xf32, #tpu.memory_space<hbm>>) target(%dma_start3A_287 : memref<25x1x128xf32, #tpu.memory_space<vmem>>) target_semaphore(%dma_start3A_282 : memref<!tpu.dma_semaphore, #tpu.memory_space<semaphore_mem>>)
        %add3A_291 = arith.constant 2 : i32
        %add3A_292 = arith.addi %select_n3A, %add3A_291 : i32
        %dma_start3A_293 = arith.constant 0 : i32
        %dma_start3A_294 = arith.constant 0 : i32
        %dma_start3A_295 = arith.constant 0 : i32
        %dma_start3A_296 = arith.constant 0 : i32
        %dma_start3A_297 = arith.constant 0 : i32
        %dma_start3A_298 = tpu.memref_slice %arg8[%dma_start3A_293, %dma_start3A_295, %dma_start3A_296, %dma_start3A_297] : memref<2x25x1x128xf32, #tpu.memory_space<vmem>> -> memref<1x25x1x128xf32, #tpu.memory_space<vmem>>
        %dma_start3A_299 = tpu.memref_squeeze %dma_start3A_298 : memref<1x25x1x128xf32, #tpu.memory_space<vmem>> -> memref<25x1x128xf32, #tpu.memory_space<vmem>>
        %dma_start3A_300 = arith.constant 0 : i32
        %dma_start3A_301 = tpu.memref_slice %arg2[%add3A_292, %add3A_267, %select_n3A_28, %dma_start3A_300] : memref<6x12500x8x128xf32, #tpu.memory_space<hbm>> -> memref<1x25x1x128xf32, #tpu.memory_space<hbm>>
        %dma_start3A_302 = tpu.memref_squeeze %dma_start3A_301 : memref<1x25x1x128xf32, #tpu.memory_space<hbm>> -> memref<25x1x128xf32, #tpu.memory_space<hbm>>
        %dma_start3A_303 = tpu.memref_slice %arg11[%dma_start3A_294] : memref<2x!tpu.dma_semaphore, #tpu.memory_space<semaphore_mem>> -> memref<1x!tpu.dma_semaphore, #tpu.memory_space<semaphore_mem>>
        %dma_start3A_304 = tpu.memref_squeeze %dma_start3A_303 : memref<1x!tpu.dma_semaphore, #tpu.memory_space<semaphore_mem>> -> memref<!tpu.dma_semaphore, #tpu.memory_space<semaphore_mem>>
        %dma_start3A_305 = arith.constant 0 : i32
        %dma_start3A_306 = arith.constant 0 : i32
        %dma_start3A_307 = arith.constant 0 : i32
        %dma_start3A_308 = tpu.memref_slice %arg8[%dma_start3A_293, %dma_start3A_305, %dma_start3A_306, %dma_start3A_307] : memref<2x25x1x128xf32, #tpu.memory_space<vmem>> -> memref<1x25x1x128xf32, #tpu.memory_space<vmem>>
        %dma_start3A_309 = tpu.memref_squeeze %dma_start3A_308 : memref<1x25x1x128xf32, #tpu.memory_space<vmem>> -> memref<25x1x128xf32, #tpu.memory_space<vmem>>
        %dma_start3A_310 = arith.constant 0 : i32
        %dma_start3A_311 = tpu.memref_slice %arg2[%add3A_292, %add3A_267, %select_n3A_28, %dma_start3A_310] : memref<6x12500x8x128xf32, #tpu.memory_space<hbm>> -> memref<1x25x1x128xf32, #tpu.memory_space<hbm>>
        %dma_start3A_312 = tpu.memref_squeeze %dma_start3A_311 : memref<1x25x1x128xf32, #tpu.memory_space<hbm>> -> memref<25x1x128xf32, #tpu.memory_space<hbm>>
        tpu.enqueue_dma source(%dma_start3A_312 : memref<25x1x128xf32, #tpu.memory_space<hbm>>) target(%dma_start3A_309 : memref<25x1x128xf32, #tpu.memory_space<vmem>>) target_semaphore(%dma_start3A_304 : memref<!tpu.dma_semaphore, #tpu.memory_space<semaphore_mem>>)
        %dma_start3A_313 = arith.constant 0 : i32
        %dma_start3A_314 = arith.constant 0 : i32
        %dma_start3A_315 = arith.constant 0 : i32
        %dma_start3A_316 = tpu.memref_slice %arg9[%dma_start3A_313, %dma_start3A_315] : memref<2x3200xi32, #tpu.memory_space<vmem>> -> memref<1x3200xi32, #tpu.memory_space<vmem>>
        %dma_start3A_317 = tpu.memref_squeeze %dma_start3A_316 : memref<1x3200xi32, #tpu.memory_space<vmem>> -> memref<3200xi32, #tpu.memory_space<vmem>>
        %dma_start3A_318 = tpu.memref_slice %arg3[%add3A_270] : memref<1600000xi32, #tpu.memory_space<hbm>> -> memref<3200xi32, #tpu.memory_space<hbm>>
        %dma_start3A_319 = tpu.memref_slice %arg11[%dma_start3A_314] : memref<2x!tpu.dma_semaphore, #tpu.memory_space<semaphore_mem>> -> memref<1x!tpu.dma_semaphore, #tpu.memory_space<semaphore_mem>>
        %dma_start3A_320 = tpu.memref_squeeze %dma_start3A_319 : memref<1x!tpu.dma_semaphore, #tpu.memory_space<semaphore_mem>> -> memref<!tpu.dma_semaphore, #tpu.memory_space<semaphore_mem>>
        %dma_start3A_321 = arith.constant 0 : i32
        %dma_start3A_322 = tpu.memref_slice %arg9[%dma_start3A_313, %dma_start3A_321] : memref<2x3200xi32, #tpu.memory_space<vmem>> -> memref<1x3200xi32, #tpu.memory_space<vmem>>
        %dma_start3A_323 = tpu.memref_squeeze %dma_start3A_322 : memref<1x3200xi32, #tpu.memory_space<vmem>> -> memref<3200xi32, #tpu.memory_space<vmem>>
        %dma_start3A_324 = tpu.memref_slice %arg3[%add3A_270] : memref<1600000xi32, #tpu.memory_space<hbm>> -> memref<3200xi32, #tpu.memory_space<hbm>>
        tpu.enqueue_dma source(%dma_start3A_324 : memref<3200xi32, #tpu.memory_space<hbm>>) target(%dma_start3A_323 : memref<3200xi32, #tpu.memory_space<vmem>>) target_semaphore(%dma_start3A_320 : memref<!tpu.dma_semaphore, #tpu.memory_space<semaphore_mem>>)
        %dma_start3A_325 = arith.constant 0 : i32
        %dma_start3A_326 = arith.constant 0 : i32
        %dma_start3A_327 = arith.constant 0 : i32
        %dma_start3A_328 = tpu.memref_slice %arg10[%dma_start3A_325, %dma_start3A_327] : memref<2x3200xi32, #tpu.memory_space<vmem>> -> memref<1x3200xi32, #tpu.memory_space<vmem>>
        %dma_start3A_329 = tpu.memref_squeeze %dma_start3A_328 : memref<1x3200xi32, #tpu.memory_space<vmem>> -> memref<3200xi32, #tpu.memory_space<vmem>>
        %dma_start3A_330 = tpu.memref_slice %arg4[%add3A_270] : memref<1600000xi32, #tpu.memory_space<hbm>> -> memref<3200xi32, #tpu.memory_space<hbm>>
        %dma_start3A_331 = tpu.memref_slice %arg11[%dma_start3A_326] : memref<2x!tpu.dma_semaphore, #tpu.memory_space<semaphore_mem>> -> memref<1x!tpu.dma_semaphore, #tpu.memory_space<semaphore_mem>>
        %dma_start3A_332 = tpu.memref_squeeze %dma_start3A_331 : memref<1x!tpu.dma_semaphore, #tpu.memory_space<semaphore_mem>> -> memref<!tpu.dma_semaphore, #tpu.memory_space<semaphore_mem>>
        %dma_start3A_333 = arith.constant 0 : i32
        %dma_start3A_334 = tpu.memref_slice %arg10[%dma_start3A_325, %dma_start3A_333] : memref<2x3200xi32, #tpu.memory_space<vmem>> -> memref<1x3200xi32, #tpu.memory_space<vmem>>
        %dma_start3A_335 = tpu.memref_squeeze %dma_start3A_334 : memref<1x3200xi32, #tpu.memory_space<vmem>> -> memref<3200xi32, #tpu.memory_space<vmem>>
        %dma_start3A_336 = tpu.memref_slice %arg4[%add3A_270] : memref<1600000xi32, #tpu.memory_space<hbm>> -> memref<3200xi32, #tpu.memory_space<hbm>>
        tpu.enqueue_dma source(%dma_start3A_336 : memref<3200xi32, #tpu.memory_space<hbm>>) target(%dma_start3A_335 : memref<3200xi32, #tpu.memory_space<vmem>>) target_semaphore(%dma_start3A_332 : memref<!tpu.dma_semaphore, #tpu.memory_space<semaphore_mem>>)
      } else {
      }
      %dma_wait3A_196 = arith.constant 1 : i32
      %dma_wait3A_197 = arith.constant 1 : i32
      %dma_wait3A_198 = arith.constant 0 : i32
      %dma_wait3A_199 = arith.constant 0 : i32
      %dma_wait3A_200 = arith.constant 0 : i32
      %dma_wait3A_201 = tpu.memref_slice %arg7[%dma_wait3A_196, %dma_wait3A_198, %dma_wait3A_199, %dma_wait3A_200] : memref<2x25x1x128xf32, #tpu.memory_space<vmem>> -> memref<1x25x1x128xf32, #tpu.memory_space<vmem>>
      %dma_wait3A_202 = tpu.memref_squeeze %dma_wait3A_201 : memref<1x25x1x128xf32, #tpu.memory_space<vmem>> -> memref<25x1x128xf32, #tpu.memory_space<vmem>>
      %dma_wait3A_203 = arith.constant 0 : i32
      %dma_wait3A_204 = tpu.memref_slice %arg2[%select_n3A, %mul3A_29, %select_n3A_28, %dma_wait3A_203] : memref<6x12500x8x128xf32, #tpu.memory_space<hbm>> -> memref<1x25x1x128xf32, #tpu.memory_space<hbm>>
      %dma_wait3A_205 = tpu.memref_squeeze %dma_wait3A_204 : memref<1x25x1x128xf32, #tpu.memory_space<hbm>> -> memref<25x1x128xf32, #tpu.memory_space<hbm>>
      %dma_wait3A_206 = tpu.memref_slice %arg11[%dma_wait3A_197] : memref<2x!tpu.dma_semaphore, #tpu.memory_space<semaphore_mem>> -> memref<1x!tpu.dma_semaphore, #tpu.memory_space<semaphore_mem>>
      %dma_wait3A_207 = tpu.memref_squeeze %dma_wait3A_206 : memref<1x!tpu.dma_semaphore, #tpu.memory_space<semaphore_mem>> -> memref<!tpu.dma_semaphore, #tpu.memory_space<semaphore_mem>>
      %dma_wait3A_208 = arith.constant 0 : i32
      %dma_wait3A_209 = arith.constant 0 : i32
      %dma_wait3A_210 = arith.constant 0 : i32
      %dma_wait3A_211 = tpu.memref_slice %arg7[%dma_wait3A_196, %dma_wait3A_208, %dma_wait3A_209, %dma_wait3A_210] : memref<2x25x1x128xf32, #tpu.memory_space<vmem>> -> memref<1x25x1x128xf32, #tpu.memory_space<vmem>>
      %dma_wait3A_212 = tpu.memref_squeeze %dma_wait3A_211 : memref<1x25x1x128xf32, #tpu.memory_space<vmem>> -> memref<25x1x128xf32, #tpu.memory_space<vmem>>
      %dma_wait3A_213 = arith.constant 0 : i32
      %dma_wait3A_214 = tpu.memref_slice %arg2[%select_n3A, %mul3A_29, %select_n3A_28, %dma_wait3A_213] : memref<6x12500x8x128xf32, #tpu.memory_space<hbm>> -> memref<1x25x1x128xf32, #tpu.memory_space<hbm>>
      %dma_wait3A_215 = tpu.memref_squeeze %dma_wait3A_214 : memref<1x25x1x128xf32, #tpu.memory_space<hbm>> -> memref<25x1x128xf32, #tpu.memory_space<hbm>>
      tpu.wait_dma2 semaphore(%dma_wait3A_207 : memref<!tpu.dma_semaphore, #tpu.memory_space<semaphore_mem>>) src(%dma_wait3A_215 : memref<25x1x128xf32, #tpu.memory_space<hbm>>) dst(%dma_wait3A_212 : memref<25x1x128xf32, #tpu.memory_space<vmem>>)
      %dma_wait3A_216 = arith.constant 1 : i32
      %dma_wait3A_217 = arith.constant 1 : i32
      %dma_wait3A_218 = arith.constant 0 : i32
      %dma_wait3A_219 = arith.constant 0 : i32
      %dma_wait3A_220 = arith.constant 0 : i32
      %dma_wait3A_221 = tpu.memref_slice %arg8[%dma_wait3A_216, %dma_wait3A_218, %dma_wait3A_219, %dma_wait3A_220] : memref<2x25x1x128xf32, #tpu.memory_space<vmem>> -> memref<1x25x1x128xf32, #tpu.memory_space<vmem>>
      %dma_wait3A_222 = tpu.memref_squeeze %dma_wait3A_221 : memref<1x25x1x128xf32, #tpu.memory_space<vmem>> -> memref<25x1x128xf32, #tpu.memory_space<vmem>>
      %dma_wait3A_223 = arith.constant 0 : i32
      %dma_wait3A_224 = tpu.memref_slice %arg2[%select_n3A, %mul3A_29, %select_n3A_28, %dma_wait3A_223] : memref<6x12500x8x128xf32, #tpu.memory_space<hbm>> -> memref<1x25x1x128xf32, #tpu.memory_space<hbm>>
      %dma_wait3A_225 = tpu.memref_squeeze %dma_wait3A_224 : memref<1x25x1x128xf32, #tpu.memory_space<hbm>> -> memref<25x1x128xf32, #tpu.memory_space<hbm>>
      %dma_wait3A_226 = tpu.memref_slice %arg11[%dma_wait3A_217] : memref<2x!tpu.dma_semaphore, #tpu.memory_space<semaphore_mem>> -> memref<1x!tpu.dma_semaphore, #tpu.memory_space<semaphore_mem>>
      %dma_wait3A_227 = tpu.memref_squeeze %dma_wait3A_226 : memref<1x!tpu.dma_semaphore, #tpu.memory_space<semaphore_mem>> -> memref<!tpu.dma_semaphore, #tpu.memory_space<semaphore_mem>>
      %dma_wait3A_228 = arith.constant 0 : i32
      %dma_wait3A_229 = arith.constant 0 : i32
      %dma_wait3A_230 = arith.constant 0 : i32
      %dma_wait3A_231 = tpu.memref_slice %arg8[%dma_wait3A_216, %dma_wait3A_228, %dma_wait3A_229, %dma_wait3A_230] : memref<2x25x1x128xf32, #tpu.memory_space<vmem>> -> memref<1x25x1x128xf32, #tpu.memory_space<vmem>>
      %dma_wait3A_232 = tpu.memref_squeeze %dma_wait3A_231 : memref<1x25x1x128xf32, #tpu.memory_space<vmem>> -> memref<25x1x128xf32, #tpu.memory_space<vmem>>
      %dma_wait3A_233 = arith.constant 0 : i32
      %dma_wait3A_234 = tpu.memref_slice %arg2[%select_n3A, %mul3A_29, %select_n3A_28, %dma_wait3A_233] : memref<6x12500x8x128xf32, #tpu.memory_space<hbm>> -> memref<1x25x1x128xf32, #tpu.memory_space<hbm>>
      %dma_wait3A_235 = tpu.memref_squeeze %dma_wait3A_234 : memref<1x25x1x128xf32, #tpu.memory_space<hbm>> -> memref<25x1x128xf32, #tpu.memory_space<hbm>>
      tpu.wait_dma2 semaphore(%dma_wait3A_227 : memref<!tpu.dma_semaphore, #tpu.memory_space<semaphore_mem>>) src(%dma_wait3A_235 : memref<25x1x128xf32, #tpu.memory_space<hbm>>) dst(%dma_wait3A_232 : memref<25x1x128xf32, #tpu.memory_space<vmem>>)
      %dma_wait3A_236 = arith.constant 1 : i32
      %dma_wait3A_237 = arith.constant 1 : i32
      %dma_wait3A_238 = arith.constant 0 : i32
      %dma_wait3A_239 = tpu.memref_slice %arg9[%dma_wait3A_236, %dma_wait3A_238] : memref<2x3200xi32, #tpu.memory_space<vmem>> -> memref<1x3200xi32, #tpu.memory_space<vmem>>
      %dma_wait3A_240 = tpu.memref_squeeze %dma_wait3A_239 : memref<1x3200xi32, #tpu.memory_space<vmem>> -> memref<3200xi32, #tpu.memory_space<vmem>>
      %dma_wait3A_241 = tpu.memref_slice %arg3[%mul3A_31] : memref<1600000xi32, #tpu.memory_space<hbm>> -> memref<3200xi32, #tpu.memory_space<hbm>>
      %dma_wait3A_242 = tpu.memref_slice %arg11[%dma_wait3A_237] : memref<2x!tpu.dma_semaphore, #tpu.memory_space<semaphore_mem>> -> memref<1x!tpu.dma_semaphore, #tpu.memory_space<semaphore_mem>>
      %dma_wait3A_243 = tpu.memref_squeeze %dma_wait3A_242 : memref<1x!tpu.dma_semaphore, #tpu.memory_space<semaphore_mem>> -> memref<!tpu.dma_semaphore, #tpu.memory_space<semaphore_mem>>
      %dma_wait3A_244 = arith.constant 0 : i32
      %dma_wait3A_245 = tpu.memref_slice %arg9[%dma_wait3A_236, %dma_wait3A_244] : memref<2x3200xi32, #tpu.memory_space<vmem>> -> memref<1x3200xi32, #tpu.memory_space<vmem>>
      %dma_wait3A_246 = tpu.memref_squeeze %dma_wait3A_245 : memref<1x3200xi32, #tpu.memory_space<vmem>> -> memref<3200xi32, #tpu.memory_space<vmem>>
      %dma_wait3A_247 = tpu.memref_slice %arg3[%mul3A_31] : memref<1600000xi32, #tpu.memory_space<hbm>> -> memref<3200xi32, #tpu.memory_space<hbm>>
      tpu.wait_dma2 semaphore(%dma_wait3A_243 : memref<!tpu.dma_semaphore, #tpu.memory_space<semaphore_mem>>) src(%dma_wait3A_247 : memref<3200xi32, #tpu.memory_space<hbm>>) dst(%dma_wait3A_246 : memref<3200xi32, #tpu.memory_space<vmem>>)
      %dma_wait3A_248 = arith.constant 1 : i32
      %dma_wait3A_249 = arith.constant 1 : i32
      %dma_wait3A_250 = arith.constant 0 : i32
      %dma_wait3A_251 = tpu.memref_slice %arg10[%dma_wait3A_248, %dma_wait3A_250] : memref<2x3200xi32, #tpu.memory_space<vmem>> -> memref<1x3200xi32, #tpu.memory_space<vmem>>
      %dma_wait3A_252 = tpu.memref_squeeze %dma_wait3A_251 : memref<1x3200xi32, #tpu.memory_space<vmem>> -> memref<3200xi32, #tpu.memory_space<vmem>>
      %dma_wait3A_253 = tpu.memref_slice %arg3[%mul3A_31] : memref<1600000xi32, #tpu.memory_space<hbm>> -> memref<3200xi32, #tpu.memory_space<hbm>>
      %dma_wait3A_254 = tpu.memref_slice %arg11[%dma_wait3A_249] : memref<2x!tpu.dma_semaphore, #tpu.memory_space<semaphore_mem>> -> memref<1x!tpu.dma_semaphore, #tpu.memory_space<semaphore_mem>>
      %dma_wait3A_255 = tpu.memref_squeeze %dma_wait3A_254 : memref<1x!tpu.dma_semaphore, #tpu.memory_space<semaphore_mem>> -> memref<!tpu.dma_semaphore, #tpu.memory_space<semaphore_mem>>
      %dma_wait3A_256 = arith.constant 0 : i32
      %dma_wait3A_257 = tpu.memref_slice %arg10[%dma_wait3A_248, %dma_wait3A_256] : memref<2x3200xi32, #tpu.memory_space<vmem>> -> memref<1x3200xi32, #tpu.memory_space<vmem>>
      %dma_wait3A_258 = tpu.memref_squeeze %dma_wait3A_257 : memref<1x3200xi32, #tpu.memory_space<vmem>> -> memref<3200xi32, #tpu.memory_space<vmem>>
      %dma_wait3A_259 = tpu.memref_slice %arg3[%mul3A_31] : memref<1600000xi32, #tpu.memory_space<hbm>> -> memref<3200xi32, #tpu.memory_space<hbm>>
      tpu.wait_dma2 semaphore(%dma_wait3A_255 : memref<!tpu.dma_semaphore, #tpu.memory_space<semaphore_mem>>) src(%dma_wait3A_259 : memref<3200xi32, #tpu.memory_space<hbm>>) dst(%dma_wait3A_258 : memref<3200xi32, #tpu.memory_space<vmem>>)
      %parallel_loop3A_260 = arith.constant 0 : i32
      %parallel_loop3A_261 = arith.constant 25 : i32
      %parallel_loop3A_262 = arith.constant 1 : i32
      scf.for %parallel_loop3A_263 = %parallel_loop3A_260 to %parallel_loop3A_261 step %parallel_loop3A_262  : i32 {
        %parallel_loop3A_264 = arith.constant 128 : i32
        %parallel_loop3A_265 = arith.muli %parallel_loop3A_263, %parallel_loop3A_264 : i32
        %parallel_loop3A_266 = arith.constant 0 : i32
        %parallel_loop3A_267 = arith.addi %parallel_loop3A_265, %parallel_loop3A_266 : i32
        %parallel_loop3A_268 = arith.constant 1 : i32
        %parallel_loop3A_269 = arith.index_cast %parallel_loop3A_268 : i32 to index
        %parallel_loop3A_270 = arith.index_cast %parallel_loop3A_267 : i32 to index
        %parallel_loop3A_271 = tpu.vector_load %arg9[%parallel_loop3A_269, %parallel_loop3A_270] {strides = array<i32>} : memref<2x3200xi32, #tpu.memory_space<vmem>>, vector<16xi32>,
        %parallel_loop3A_272 = arith.constant 1 : i32
        %parallel_loop3A_273 = arith.constant 0 : i32
        %parallel_loop3A_274 = arith.index_cast %parallel_loop3A_272 : i32 to index
        %parallel_loop3A_275 = arith.index_cast %parallel_loop3A_263 : i32 to index
        %parallel_loop3A_276 = arith.index_cast %parallel_loop3A_273 : i32 to index
        %parallel_loop3A_277 = arith.constant 0 : index
        %parallel_loop3A_278 = tpu.vector_load %arg7[%parallel_loop3A_274, %parallel_loop3A_275, %parallel_loop3A_276, %parallel_loop3A_277] {strides = array<i32>} : memref<2x25x1x128xf32, #tpu.memory_space<vmem>>, vector<16xf32>,
        %parallel_loop3A_279 = arith.constant 7 : i32
        %parallel_loop3A_280 = vector.broadcast %parallel_loop3A_279 : i32 to vector<16xi32>
        %parallel_loop3A_281 = arith.shrui %parallel_loop3A_271, %parallel_loop3A_280 : vector<16xi32>
        %parallel_loop3A_282 = arith.constant 127 : i32
        %parallel_loop3A_283 = vector.broadcast %parallel_loop3A_282 : i32 to vector<16xi32>
        %parallel_loop3A_284 = arith.andi %parallel_loop3A_271, %parallel_loop3A_283 : vector<16xi32>
        tpu.vector_store_idx %arg6[%parallel_loop3A_281, %parallel_loop3A_284], %parallel_loop3A_278 {add = true} : memref<391x128xf32, #tpu.memory_space<vmem>>[vector<16xi32>, vector<16xi32>], vector<16xf32>,
        %parallel_loop3A_285 = arith.constant 1 : i32
        %parallel_loop3A_286 = arith.index_cast %parallel_loop3A_285 : i32 to index
        %parallel_loop3A_287 = arith.index_cast %parallel_loop3A_267 : i32 to index
        %parallel_loop3A_288 = tpu.vector_load %arg10[%parallel_loop3A_286, %parallel_loop3A_287] {strides = array<i32>} : memref<2x3200xi32, #tpu.memory_space<vmem>>, vector<16xi32>,
        %parallel_loop3A_289 = arith.constant 1 : i32
        %parallel_loop3A_290 = arith.constant 0 : i32
        %parallel_loop3A_291 = arith.index_cast %parallel_loop3A_289 : i32 to index
        %parallel_loop3A_292 = arith.index_cast %parallel_loop3A_263 : i32 to index
        %parallel_loop3A_293 = arith.index_cast %parallel_loop3A_290 : i32 to index
        %parallel_loop3A_294 = arith.constant 0 : index
        %parallel_loop3A_295 = tpu.vector_load %arg8[%parallel_loop3A_291, %parallel_loop3A_292, %parallel_loop3A_293, %parallel_loop3A_294] {strides = array<i32>} : memref<2x25x1x128xf32, #tpu.memory_space<vmem>>, vector<16xf32>,
        %parallel_loop3A_296 = arith.constant 7 : i32
        %parallel_loop3A_297 = vector.broadcast %parallel_loop3A_296 : i32 to vector<16xi32>
        %parallel_loop3A_298 = arith.shrui %parallel_loop3A_288, %parallel_loop3A_297 : vector<16xi32>
        %parallel_loop3A_299 = arith.constant 127 : i32
        %parallel_loop3A_300 = vector.broadcast %parallel_loop3A_299 : i32 to vector<16xi32>
        %parallel_loop3A_301 = arith.andi %parallel_loop3A_288, %parallel_loop3A_300 : vector<16xi32>
        tpu.vector_store_idx %arg6[%parallel_loop3A_298, %parallel_loop3A_301], %parallel_loop3A_295 {add = true} : memref<391x128xf32, #tpu.memory_space<vmem>>[vector<16xi32>, vector<16xi32>], vector<16xf32>,
        %parallel_loop3A_302 = arith.constant 128 : i32
        %parallel_loop3A_303 = arith.muli %parallel_loop3A_263, %parallel_loop3A_302 : i32
        %parallel_loop3A_304 = arith.constant 16 : i32
        %parallel_loop3A_305 = arith.addi %parallel_loop3A_303, %parallel_loop3A_304 : i32
        %parallel_loop3A_306 = arith.constant 1 : i32
        %parallel_loop3A_307 = arith.index_cast %parallel_loop3A_306 : i32 to index
        %parallel_loop3A_308 = arith.index_cast %parallel_loop3A_305 : i32 to index
        %parallel_loop3A_309 = tpu.vector_load %arg9[%parallel_loop3A_307, %parallel_loop3A_308] {strides = array<i32>} : memref<2x3200xi32, #tpu.memory_space<vmem>>, vector<16xi32>,
        %parallel_loop3A_310 = arith.constant 1 : i32
        %parallel_loop3A_311 = arith.constant 0 : i32
        %parallel_loop3A_312 = arith.index_cast %parallel_loop3A_310 : i32 to index
        %parallel_loop3A_313 = arith.index_cast %parallel_loop3A_263 : i32 to index
        %parallel_loop3A_314 = arith.index_cast %parallel_loop3A_311 : i32 to index
        %parallel_loop3A_315 = arith.constant 16 : index
        %parallel_loop3A_316 = tpu.vector_load %arg7[%parallel_loop3A_312, %parallel_loop3A_313, %parallel_loop3A_314, %parallel_loop3A_315] {strides = array<i32>} : memref<2x25x1x128xf32, #tpu.memory_space<vmem>>, vector<16xf32>,
        %parallel_loop3A_317 = arith.constant 7 : i32
        %parallel_loop3A_318 = vector.broadcast %parallel_loop3A_317 : i32 to vector<16xi32>
        %parallel_loop3A_319 = arith.shrui %parallel_loop3A_309, %parallel_loop3A_318 : vector<16xi32>
        %parallel_loop3A_320 = arith.constant 127 : i32
        %parallel_loop3A_321 = vector.broadcast %parallel_loop3A_320 : i32 to vector<16xi32>
        %parallel_loop3A_322 = arith.andi %parallel_loop3A_309, %parallel_loop3A_321 : vector<16xi32>
        tpu.vector_store_idx %arg6[%parallel_loop3A_319, %parallel_loop3A_322], %parallel_loop3A_316 {add = true} : memref<391x128xf32, #tpu.memory_space<vmem>>[vector<16xi32>, vector<16xi32>], vector<16xf32>,
        %parallel_loop3A_323 = arith.constant 1 : i32
        %parallel_loop3A_324 = arith.index_cast %parallel_loop3A_323 : i32 to index
        %parallel_loop3A_325 = arith.index_cast %parallel_loop3A_305 : i32 to index
        %parallel_loop3A_326 = tpu.vector_load %arg10[%parallel_loop3A_324, %parallel_loop3A_325] {strides = array<i32>} : memref<2x3200xi32, #tpu.memory_space<vmem>>, vector<16xi32>,
        %parallel_loop3A_327 = arith.constant 1 : i32
        %parallel_loop3A_328 = arith.constant 0 : i32
        %parallel_loop3A_329 = arith.index_cast %parallel_loop3A_327 : i32 to index
        %parallel_loop3A_330 = arith.index_cast %parallel_loop3A_263 : i32 to index
        %parallel_loop3A_331 = arith.index_cast %parallel_loop3A_328 : i32 to index
        %parallel_loop3A_332 = arith.constant 16 : index
        %parallel_loop3A_333 = tpu.vector_load %arg8[%parallel_loop3A_329, %parallel_loop3A_330, %parallel_loop3A_331, %parallel_loop3A_332] {strides = array<i32>} : memref<2x25x1x128xf32, #tpu.memory_space<vmem>>, vector<16xf32>,
        %parallel_loop3A_334 = arith.constant 7 : i32
        %parallel_loop3A_335 = vector.broadcast %parallel_loop3A_334 : i32 to vector<16xi32>
        %parallel_loop3A_336 = arith.shrui %parallel_loop3A_326, %parallel_loop3A_335 : vector<16xi32>
        %parallel_loop3A_337 = arith.constant 127 : i32
        %parallel_loop3A_338 = vector.broadcast %parallel_loop3A_337 : i32 to vector<16xi32>
        %parallel_loop3A_339 = arith.andi %parallel_loop3A_326, %parallel_loop3A_338 : vector<16xi32>
        tpu.vector_store_idx %arg6[%parallel_loop3A_336, %parallel_loop3A_339], %parallel_loop3A_333 {add = true} : memref<391x128xf32, #tpu.memory_space<vmem>>[vector<16xi32>, vector<16xi32>], vector<16xf32>,
        %parallel_loop3A_340 = arith.constant 128 : i32
        %parallel_loop3A_341 = arith.muli %parallel_loop3A_263, %parallel_loop3A_340 : i32
        %parallel_loop3A_342 = arith.constant 32 : i32
        %parallel_loop3A_343 = arith.addi %parallel_loop3A_341, %parallel_loop3A_342 : i32
        %parallel_loop3A_344 = arith.constant 1 : i32
        %parallel_loop3A_345 = arith.index_cast %parallel_loop3A_344 : i32 to index
        %parallel_loop3A_346 = arith.index_cast %parallel_loop3A_343 : i32 to index
        %parallel_loop3A_347 = tpu.vector_load %arg9[%parallel_loop3A_345, %parallel_loop3A_346] {strides = array<i32>} : memref<2x3200xi32, #tpu.memory_space<vmem>>, vector<16xi32>,
        %parallel_loop3A_348 = arith.constant 1 : i32
        %parallel_loop3A_349 = arith.constant 0 : i32
        %parallel_loop3A_350 = arith.index_cast %parallel_loop3A_348 : i32 to index
        %parallel_loop3A_351 = arith.index_cast %parallel_loop3A_263 : i32 to index
        %parallel_loop3A_352 = arith.index_cast %parallel_loop3A_349 : i32 to index
        %parallel_loop3A_353 = arith.constant 32 : index
        %parallel_loop3A_354 = tpu.vector_load %arg7[%parallel_loop3A_350, %parallel_loop3A_351, %parallel_loop3A_352, %parallel_loop3A_353] {strides = array<i32>} : memref<2x25x1x128xf32, #tpu.memory_space<vmem>>, vector<16xf32>,
        %parallel_loop3A_355 = arith.constant 7 : i32
        %parallel_loop3A_356 = vector.broadcast %parallel_loop3A_355 : i32 to vector<16xi32>
        %parallel_loop3A_357 = arith.shrui %parallel_loop3A_347, %parallel_loop3A_356 : vector<16xi32>
        %parallel_loop3A_358 = arith.constant 127 : i32
        %parallel_loop3A_359 = vector.broadcast %parallel_loop3A_358 : i32 to vector<16xi32>
        %parallel_loop3A_360 = arith.andi %parallel_loop3A_347, %parallel_loop3A_359 : vector<16xi32>
        tpu.vector_store_idx %arg6[%parallel_loop3A_357, %parallel_loop3A_360], %parallel_loop3A_354 {add = true} : memref<391x128xf32, #tpu.memory_space<vmem>>[vector<16xi32>, vector<16xi32>], vector<16xf32>,
        %parallel_loop3A_361 = arith.constant 1 : i32
        %parallel_loop3A_362 = arith.index_cast %parallel_loop3A_361 : i32 to index
        %parallel_loop3A_363 = arith.index_cast %parallel_loop3A_343 : i32 to index
        %parallel_loop3A_364 = tpu.vector_load %arg10[%parallel_loop3A_362, %parallel_loop3A_363] {strides = array<i32>} : memref<2x3200xi32, #tpu.memory_space<vmem>>, vector<16xi32>,
        %parallel_loop3A_365 = arith.constant 1 : i32
        %parallel_loop3A_366 = arith.constant 0 : i32
        %parallel_loop3A_367 = arith.index_cast %parallel_loop3A_365 : i32 to index
        %parallel_loop3A_368 = arith.index_cast %parallel_loop3A_263 : i32 to index
        %parallel_loop3A_369 = arith.index_cast %parallel_loop3A_366 : i32 to index
        %parallel_loop3A_370 = arith.constant 32 : index
        %parallel_loop3A_371 = tpu.vector_load %arg8[%parallel_loop3A_367, %parallel_loop3A_368, %parallel_loop3A_369, %parallel_loop3A_370] {strides = array<i32>} : memref<2x25x1x128xf32, #tpu.memory_space<vmem>>, vector<16xf32>,
        %parallel_loop3A_372 = arith.constant 7 : i32
        %parallel_loop3A_373 = vector.broadcast %parallel_loop3A_372 : i32 to vector<16xi32>
        %parallel_loop3A_374 = arith.shrui %parallel_loop3A_364, %parallel_loop3A_373 : vector<16xi32>
        %parallel_loop3A_375 = arith.constant 127 : i32
        %parallel_loop3A_376 = vector.broadcast %parallel_loop3A_375 : i32 to vector<16xi32>
        %parallel_loop3A_377 = arith.andi %parallel_loop3A_364, %parallel_loop3A_376 : vector<16xi32>
        tpu.vector_store_idx %arg6[%parallel_loop3A_374, %parallel_loop3A_377], %parallel_loop3A_371 {add = true} : memref<391x128xf32, #tpu.memory_space<vmem>>[vector<16xi32>, vector<16xi32>], vector<16xf32>,
        %parallel_loop3A_378 = arith.constant 128 : i32
        %parallel_loop3A_379 = arith.muli %parallel_loop3A_263, %parallel_loop3A_378 : i32
        %parallel_loop3A_380 = arith.constant 48 : i32
        %parallel_loop3A_381 = arith.addi %parallel_loop3A_379, %parallel_loop3A_380 : i32
        %parallel_loop3A_382 = arith.constant 1 : i32
        %parallel_loop3A_383 = arith.index_cast %parallel_loop3A_382 : i32 to index
        %parallel_loop3A_384 = arith.index_cast %parallel_loop3A_381 : i32 to index
        %parallel_loop3A_385 = tpu.vector_load %arg9[%parallel_loop3A_383, %parallel_loop3A_384] {strides = array<i32>} : memref<2x3200xi32, #tpu.memory_space<vmem>>, vector<16xi32>,
        %parallel_loop3A_386 = arith.constant 1 : i32
        %parallel_loop3A_387 = arith.constant 0 : i32
        %parallel_loop3A_388 = arith.index_cast %parallel_loop3A_386 : i32 to index
        %parallel_loop3A_389 = arith.index_cast %parallel_loop3A_263 : i32 to index
        %parallel_loop3A_390 = arith.index_cast %parallel_loop3A_387 : i32 to index
        %parallel_loop3A_391 = arith.constant 48 : index
        %parallel_loop3A_392 = tpu.vector_load %arg7[%parallel_loop3A_388, %parallel_loop3A_389, %parallel_loop3A_390, %parallel_loop3A_391] {strides = array<i32>} : memref<2x25x1x128xf32, #tpu.memory_space<vmem>>, vector<16xf32>,
        %parallel_loop3A_393 = arith.constant 7 : i32
        %parallel_loop3A_394 = vector.broadcast %parallel_loop3A_393 : i32 to vector<16xi32>
        %parallel_loop3A_395 = arith.shrui %parallel_loop3A_385, %parallel_loop3A_394 : vector<16xi32>
        %parallel_loop3A_396 = arith.constant 127 : i32
        %parallel_loop3A_397 = vector.broadcast %parallel_loop3A_396 : i32 to vector<16xi32>
        %parallel_loop3A_398 = arith.andi %parallel_loop3A_385, %parallel_loop3A_397 : vector<16xi32>
        tpu.vector_store_idx %arg6[%parallel_loop3A_395, %parallel_loop3A_398], %parallel_loop3A_392 {add = true} : memref<391x128xf32, #tpu.memory_space<vmem>>[vector<16xi32>, vector<16xi32>], vector<16xf32>,
        %parallel_loop3A_399 = arith.constant 1 : i32
        %parallel_loop3A_400 = arith.index_cast %parallel_loop3A_399 : i32 to index
        %parallel_loop3A_401 = arith.index_cast %parallel_loop3A_381 : i32 to index
        %parallel_loop3A_402 = tpu.vector_load %arg10[%parallel_loop3A_400, %parallel_loop3A_401] {strides = array<i32>} : memref<2x3200xi32, #tpu.memory_space<vmem>>, vector<16xi32>,
        %parallel_loop3A_403 = arith.constant 1 : i32
        %parallel_loop3A_404 = arith.constant 0 : i32
        %parallel_loop3A_405 = arith.index_cast %parallel_loop3A_403 : i32 to index
        %parallel_loop3A_406 = arith.index_cast %parallel_loop3A_263 : i32 to index
        %parallel_loop3A_407 = arith.index_cast %parallel_loop3A_404 : i32 to index
        %parallel_loop3A_408 = arith.constant 48 : index
        %parallel_loop3A_409 = tpu.vector_load %arg8[%parallel_loop3A_405, %parallel_loop3A_406, %parallel_loop3A_407, %parallel_loop3A_408] {strides = array<i32>} : memref<2x25x1x128xf32, #tpu.memory_space<vmem>>, vector<16xf32>,
        %parallel_loop3A_410 = arith.constant 7 : i32
        %parallel_loop3A_411 = vector.broadcast %parallel_loop3A_410 : i32 to vector<16xi32>
        %parallel_loop3A_412 = arith.shrui %parallel_loop3A_402, %parallel_loop3A_411 : vector<16xi32>
        %parallel_loop3A_413 = arith.constant 127 : i32
        %parallel_loop3A_414 = vector.broadcast %parallel_loop3A_413 : i32 to vector<16xi32>
        %parallel_loop3A_415 = arith.andi %parallel_loop3A_402, %parallel_loop3A_414 : vector<16xi32>
        tpu.vector_store_idx %arg6[%parallel_loop3A_412, %parallel_loop3A_415], %parallel_loop3A_409 {add = true} : memref<391x128xf32, #tpu.memory_space<vmem>>[vector<16xi32>, vector<16xi32>], vector<16xf32>,
        %parallel_loop3A_416 = arith.constant 128 : i32
        %parallel_loop3A_417 = arith.muli %parallel_loop3A_263, %parallel_loop3A_416 : i32
        %parallel_loop3A_418 = arith.constant 64 : i32
        %parallel_loop3A_419 = arith.addi %parallel_loop3A_417, %parallel_loop3A_418 : i32
        %parallel_loop3A_420 = arith.constant 1 : i32
        %parallel_loop3A_421 = arith.index_cast %parallel_loop3A_420 : i32 to index
        %parallel_loop3A_422 = arith.index_cast %parallel_loop3A_419 : i32 to index
        %parallel_loop3A_423 = tpu.vector_load %arg9[%parallel_loop3A_421, %parallel_loop3A_422] {strides = array<i32>} : memref<2x3200xi32, #tpu.memory_space<vmem>>, vector<16xi32>,
        %parallel_loop3A_424 = arith.constant 1 : i32
        %parallel_loop3A_425 = arith.constant 0 : i32
        %parallel_loop3A_426 = arith.index_cast %parallel_loop3A_424 : i32 to index
        %parallel_loop3A_427 = arith.index_cast %parallel_loop3A_263 : i32 to index
        %parallel_loop3A_428 = arith.index_cast %parallel_loop3A_425 : i32 to index
        %parallel_loop3A_429 = arith.constant 64 : index
        %parallel_loop3A_430 = tpu.vector_load %arg7[%parallel_loop3A_426, %parallel_loop3A_427, %parallel_loop3A_428, %parallel_loop3A_429] {strides = array<i32>} : memref<2x25x1x128xf32, #tpu.memory_space<vmem>>, vector<16xf32>,
        %parallel_loop3A_431 = arith.constant 7 : i32
        %parallel_loop3A_432 = vector.broadcast %parallel_loop3A_431 : i32 to vector<16xi32>
        %parallel_loop3A_433 = arith.shrui %parallel_loop3A_423, %parallel_loop3A_432 : vector<16xi32>
        %parallel_loop3A_434 = arith.constant 127 : i32
        %parallel_loop3A_435 = vector.broadcast %parallel_loop3A_434 : i32 to vector<16xi32>
        %parallel_loop3A_436 = arith.andi %parallel_loop3A_423, %parallel_loop3A_435 : vector<16xi32>
        tpu.vector_store_idx %arg6[%parallel_loop3A_433, %parallel_loop3A_436], %parallel_loop3A_430 {add = true} : memref<391x128xf32, #tpu.memory_space<vmem>>[vector<16xi32>, vector<16xi32>], vector<16xf32>,
        %parallel_loop3A_437 = arith.constant 1 : i32
        %parallel_loop3A_438 = arith.index_cast %parallel_loop3A_437 : i32 to index
        %parallel_loop3A_439 = arith.index_cast %parallel_loop3A_419 : i32 to index
        %parallel_loop3A_440 = tpu.vector_load %arg10[%parallel_loop3A_438, %parallel_loop3A_439] {strides = array<i32>} : memref<2x3200xi32, #tpu.memory_space<vmem>>, vector<16xi32>,
        %parallel_loop3A_441 = arith.constant 1 : i32
        %parallel_loop3A_442 = arith.constant 0 : i32
        %parallel_loop3A_443 = arith.index_cast %parallel_loop3A_441 : i32 to index
        %parallel_loop3A_444 = arith.index_cast %parallel_loop3A_263 : i32 to index
        %parallel_loop3A_445 = arith.index_cast %parallel_loop3A_442 : i32 to index
        %parallel_loop3A_446 = arith.constant 64 : index
        %parallel_loop3A_447 = tpu.vector_load %arg8[%parallel_loop3A_443, %parallel_loop3A_444, %parallel_loop3A_445, %parallel_loop3A_446] {strides = array<i32>} : memref<2x25x1x128xf32, #tpu.memory_space<vmem>>, vector<16xf32>,
        %parallel_loop3A_448 = arith.constant 7 : i32
        %parallel_loop3A_449 = vector.broadcast %parallel_loop3A_448 : i32 to vector<16xi32>
        %parallel_loop3A_450 = arith.shrui %parallel_loop3A_440, %parallel_loop3A_449 : vector<16xi32>
        %parallel_loop3A_451 = arith.constant 127 : i32
        %parallel_loop3A_452 = vector.broadcast %parallel_loop3A_451 : i32 to vector<16xi32>
        %parallel_loop3A_453 = arith.andi %parallel_loop3A_440, %parallel_loop3A_452 : vector<16xi32>
        tpu.vector_store_idx %arg6[%parallel_loop3A_450, %parallel_loop3A_453], %parallel_loop3A_447 {add = true} : memref<391x128xf32, #tpu.memory_space<vmem>>[vector<16xi32>, vector<16xi32>], vector<16xf32>,
        %parallel_loop3A_454 = arith.constant 128 : i32
        %parallel_loop3A_455 = arith.muli %parallel_loop3A_263, %parallel_loop3A_454 : i32
        %parallel_loop3A_456 = arith.constant 80 : i32
        %parallel_loop3A_457 = arith.addi %parallel_loop3A_455, %parallel_loop3A_456 : i32
        %parallel_loop3A_458 = arith.constant 1 : i32
        %parallel_loop3A_459 = arith.index_cast %parallel_loop3A_458 : i32 to index
        %parallel_loop3A_460 = arith.index_cast %parallel_loop3A_457 : i32 to index
        %parallel_loop3A_461 = tpu.vector_load %arg9[%parallel_loop3A_459, %parallel_loop3A_460] {strides = array<i32>} : memref<2x3200xi32, #tpu.memory_space<vmem>>, vector<16xi32>,
        %parallel_loop3A_462 = arith.constant 1 : i32
        %parallel_loop3A_463 = arith.constant 0 : i32
        %parallel_loop3A_464 = arith.index_cast %parallel_loop3A_462 : i32 to index
        %parallel_loop3A_465 = arith.index_cast %parallel_loop3A_263 : i32 to index
        %parallel_loop3A_466 = arith.index_cast %parallel_loop3A_463 : i32 to index
        %parallel_loop3A_467 = arith.constant 80 : index
        %parallel_loop3A_468 = tpu.vector_load %arg7[%parallel_loop3A_464, %parallel_loop3A_465, %parallel_loop3A_466, %parallel_loop3A_467] {strides = array<i32>} : memref<2x25x1x128xf32, #tpu.memory_space<vmem>>, vector<16xf32>,
        %parallel_loop3A_469 = arith.constant 7 : i32
        %parallel_loop3A_470 = vector.broadcast %parallel_loop3A_469 : i32 to vector<16xi32>
        %parallel_loop3A_471 = arith.shrui %parallel_loop3A_461, %parallel_loop3A_470 : vector<16xi32>
        %parallel_loop3A_472 = arith.constant 127 : i32
        %parallel_loop3A_473 = vector.broadcast %parallel_loop3A_472 : i32 to vector<16xi32>
        %parallel_loop3A_474 = arith.andi %parallel_loop3A_461, %parallel_loop3A_473 : vector<16xi32>
        tpu.vector_store_idx %arg6[%parallel_loop3A_471, %parallel_loop3A_474], %parallel_loop3A_468 {add = true} : memref<391x128xf32, #tpu.memory_space<vmem>>[vector<16xi32>, vector<16xi32>], vector<16xf32>,
        %parallel_loop3A_475 = arith.constant 1 : i32
        %parallel_loop3A_476 = arith.index_cast %parallel_loop3A_475 : i32 to index
        %parallel_loop3A_477 = arith.index_cast %parallel_loop3A_457 : i32 to index
        %parallel_loop3A_478 = tpu.vector_load %arg10[%parallel_loop3A_476, %parallel_loop3A_477] {strides = array<i32>} : memref<2x3200xi32, #tpu.memory_space<vmem>>, vector<16xi32>,
        %parallel_loop3A_479 = arith.constant 1 : i32
        %parallel_loop3A_480 = arith.constant 0 : i32
        %parallel_loop3A_481 = arith.index_cast %parallel_loop3A_479 : i32 to index
        %parallel_loop3A_482 = arith.index_cast %parallel_loop3A_263 : i32 to index
        %parallel_loop3A_483 = arith.index_cast %parallel_loop3A_480 : i32 to index
        %parallel_loop3A_484 = arith.constant 80 : index
        %parallel_loop3A_485 = tpu.vector_load %arg8[%parallel_loop3A_481, %parallel_loop3A_482, %parallel_loop3A_483, %parallel_loop3A_484] {strides = array<i32>} : memref<2x25x1x128xf32, #tpu.memory_space<vmem>>, vector<16xf32>,
        %parallel_loop3A_486 = arith.constant 7 : i32
        %parallel_loop3A_487 = vector.broadcast %parallel_loop3A_486 : i32 to vector<16xi32>
        %parallel_loop3A_488 = arith.shrui %parallel_loop3A_478, %parallel_loop3A_487 : vector<16xi32>
        %parallel_loop3A_489 = arith.constant 127 : i32
        %parallel_loop3A_490 = vector.broadcast %parallel_loop3A_489 : i32 to vector<16xi32>
        %parallel_loop3A_491 = arith.andi %parallel_loop3A_478, %parallel_loop3A_490 : vector<16xi32>
        tpu.vector_store_idx %arg6[%parallel_loop3A_488, %parallel_loop3A_491], %parallel_loop3A_485 {add = true} : memref<391x128xf32, #tpu.memory_space<vmem>>[vector<16xi32>, vector<16xi32>], vector<16xf32>,
        %parallel_loop3A_492 = arith.constant 128 : i32
        %parallel_loop3A_493 = arith.muli %parallel_loop3A_263, %parallel_loop3A_492 : i32
        %parallel_loop3A_494 = arith.constant 96 : i32
        %parallel_loop3A_495 = arith.addi %parallel_loop3A_493, %parallel_loop3A_494 : i32
        %parallel_loop3A_496 = arith.constant 1 : i32
        %parallel_loop3A_497 = arith.index_cast %parallel_loop3A_496 : i32 to index
        %parallel_loop3A_498 = arith.index_cast %parallel_loop3A_495 : i32 to index
        %parallel_loop3A_499 = tpu.vector_load %arg9[%parallel_loop3A_497, %parallel_loop3A_498] {strides = array<i32>} : memref<2x3200xi32, #tpu.memory_space<vmem>>, vector<16xi32>,
        %parallel_loop3A_500 = arith.constant 1 : i32
        %parallel_loop3A_501 = arith.constant 0 : i32
        %parallel_loop3A_502 = arith.index_cast %parallel_loop3A_500 : i32 to index
        %parallel_loop3A_503 = arith.index_cast %parallel_loop3A_263 : i32 to index
        %parallel_loop3A_504 = arith.index_cast %parallel_loop3A_501 : i32 to index
        %parallel_loop3A_505 = arith.constant 96 : index
        %parallel_loop3A_506 = tpu.vector_load %arg7[%parallel_loop3A_502, %parallel_loop3A_503, %parallel_loop3A_504, %parallel_loop3A_505] {strides = array<i32>} : memref<2x25x1x128xf32, #tpu.memory_space<vmem>>, vector<16xf32>,
        %parallel_loop3A_507 = arith.constant 7 : i32
        %parallel_loop3A_508 = vector.broadcast %parallel_loop3A_507 : i32 to vector<16xi32>
        %parallel_loop3A_509 = arith.shrui %parallel_loop3A_499, %parallel_loop3A_508 : vector<16xi32>
        %parallel_loop3A_510 = arith.constant 127 : i32
        %parallel_loop3A_511 = vector.broadcast %parallel_loop3A_510 : i32 to vector<16xi32>
        %parallel_loop3A_512 = arith.andi %parallel_loop3A_499, %parallel_loop3A_511 : vector<16xi32>
        tpu.vector_store_idx %arg6[%parallel_loop3A_509, %parallel_loop3A_512], %parallel_loop3A_506 {add = true} : memref<391x128xf32, #tpu.memory_space<vmem>>[vector<16xi32>, vector<16xi32>], vector<16xf32>,
        %parallel_loop3A_513 = arith.constant 1 : i32
        %parallel_loop3A_514 = arith.index_cast %parallel_loop3A_513 : i32 to index
        %parallel_loop3A_515 = arith.index_cast %parallel_loop3A_495 : i32 to index
        %parallel_loop3A_516 = tpu.vector_load %arg10[%parallel_loop3A_514, %parallel_loop3A_515] {strides = array<i32>} : memref<2x3200xi32, #tpu.memory_space<vmem>>, vector<16xi32>,
        %parallel_loop3A_517 = arith.constant 1 : i32
        %parallel_loop3A_518 = arith.constant 0 : i32
        %parallel_loop3A_519 = arith.index_cast %parallel_loop3A_517 : i32 to index
        %parallel_loop3A_520 = arith.index_cast %parallel_loop3A_263 : i32 to index
        %parallel_loop3A_521 = arith.index_cast %parallel_loop3A_518 : i32 to index
        %parallel_loop3A_522 = arith.constant 96 : index
        %parallel_loop3A_523 = tpu.vector_load %arg8[%parallel_loop3A_519, %parallel_loop3A_520, %parallel_loop3A_521, %parallel_loop3A_522] {strides = array<i32>} : memref<2x25x1x128xf32, #tpu.memory_space<vmem>>, vector<16xf32>,
        %parallel_loop3A_524 = arith.constant 7 : i32
        %parallel_loop3A_525 = vector.broadcast %parallel_loop3A_524 : i32 to vector<16xi32>
        %parallel_loop3A_526 = arith.shrui %parallel_loop3A_516, %parallel_loop3A_525 : vector<16xi32>
        %parallel_loop3A_527 = arith.constant 127 : i32
        %parallel_loop3A_528 = vector.broadcast %parallel_loop3A_527 : i32 to vector<16xi32>
        %parallel_loop3A_529 = arith.andi %parallel_loop3A_516, %parallel_loop3A_528 : vector<16xi32>
        tpu.vector_store_idx %arg6[%parallel_loop3A_526, %parallel_loop3A_529], %parallel_loop3A_523 {add = true} : memref<391x128xf32, #tpu.memory_space<vmem>>[vector<16xi32>, vector<16xi32>], vector<16xf32>,
        %parallel_loop3A_530 = arith.constant 128 : i32
        %parallel_loop3A_531 = arith.muli %parallel_loop3A_263, %parallel_loop3A_530 : i32
        %parallel_loop3A_532 = arith.constant 112 : i32
        %parallel_loop3A_533 = arith.addi %parallel_loop3A_531, %parallel_loop3A_532 : i32
        %parallel_loop3A_534 = arith.constant 1 : i32
        %parallel_loop3A_535 = arith.index_cast %parallel_loop3A_534 : i32 to index
        %parallel_loop3A_536 = arith.index_cast %parallel_loop3A_533 : i32 to index
        %parallel_loop3A_537 = tpu.vector_load %arg9[%parallel_loop3A_535, %parallel_loop3A_536] {strides = array<i32>} : memref<2x3200xi32, #tpu.memory_space<vmem>>, vector<16xi32>,
        %parallel_loop3A_538 = arith.constant 1 : i32
        %parallel_loop3A_539 = arith.constant 0 : i32
        %parallel_loop3A_540 = arith.index_cast %parallel_loop3A_538 : i32 to index
        %parallel_loop3A_541 = arith.index_cast %parallel_loop3A_263 : i32 to index
        %parallel_loop3A_542 = arith.index_cast %parallel_loop3A_539 : i32 to index
        %parallel_loop3A_543 = arith.constant 112 : index
        %parallel_loop3A_544 = tpu.vector_load %arg7[%parallel_loop3A_540, %parallel_loop3A_541, %parallel_loop3A_542, %parallel_loop3A_543] {strides = array<i32>} : memref<2x25x1x128xf32, #tpu.memory_space<vmem>>, vector<16xf32>,
        %parallel_loop3A_545 = arith.constant 7 : i32
        %parallel_loop3A_546 = vector.broadcast %parallel_loop3A_545 : i32 to vector<16xi32>
        %parallel_loop3A_547 = arith.shrui %parallel_loop3A_537, %parallel_loop3A_546 : vector<16xi32>
        %parallel_loop3A_548 = arith.constant 127 : i32
        %parallel_loop3A_549 = vector.broadcast %parallel_loop3A_548 : i32 to vector<16xi32>
        %parallel_loop3A_550 = arith.andi %parallel_loop3A_537, %parallel_loop3A_549 : vector<16xi32>
        tpu.vector_store_idx %arg6[%parallel_loop3A_547, %parallel_loop3A_550], %parallel_loop3A_544 {add = true} : memref<391x128xf32, #tpu.memory_space<vmem>>[vector<16xi32>, vector<16xi32>], vector<16xf32>,
        %parallel_loop3A_551 = arith.constant 1 : i32
        %parallel_loop3A_552 = arith.index_cast %parallel_loop3A_551 : i32 to index
        %parallel_loop3A_553 = arith.index_cast %parallel_loop3A_533 : i32 to index
        %parallel_loop3A_554 = tpu.vector_load %arg10[%parallel_loop3A_552, %parallel_loop3A_553] {strides = array<i32>} : memref<2x3200xi32, #tpu.memory_space<vmem>>, vector<16xi32>,
        %parallel_loop3A_555 = arith.constant 1 : i32
        %parallel_loop3A_556 = arith.constant 0 : i32
        %parallel_loop3A_557 = arith.index_cast %parallel_loop3A_555 : i32 to index
        %parallel_loop3A_558 = arith.index_cast %parallel_loop3A_263 : i32 to index
        %parallel_loop3A_559 = arith.index_cast %parallel_loop3A_556 : i32 to index
        %parallel_loop3A_560 = arith.constant 112 : index
        %parallel_loop3A_561 = tpu.vector_load %arg8[%parallel_loop3A_557, %parallel_loop3A_558, %parallel_loop3A_559, %parallel_loop3A_560] {strides = array<i32>} : memref<2x25x1x128xf32, #tpu.memory_space<vmem>>, vector<16xf32>,
        %parallel_loop3A_562 = arith.constant 7 : i32
        %parallel_loop3A_563 = vector.broadcast %parallel_loop3A_562 : i32 to vector<16xi32>
        %parallel_loop3A_564 = arith.shrui %parallel_loop3A_554, %parallel_loop3A_563 : vector<16xi32>
        %parallel_loop3A_565 = arith.constant 127 : i32
        %parallel_loop3A_566 = vector.broadcast %parallel_loop3A_565 : i32 to vector<16xi32>
        %parallel_loop3A_567 = arith.andi %parallel_loop3A_554, %parallel_loop3A_566 : vector<16xi32>
        tpu.vector_store_idx %arg6[%parallel_loop3A_564, %parallel_loop3A_567], %parallel_loop3A_561 {add = true} : memref<391x128xf32, #tpu.memory_space<vmem>>[vector<16xi32>, vector<16xi32>], vector<16xf32>,
      } {sc.loop_unroll_factor = 4 : i64, sc.parallel_access}
    }
    %scan3A_109 = arith.constant 125 : i32
    "tpu.region"() ({
      %run_scoped3A = tpu.sem_alloc : memref<!tpu.dma_semaphore, #tpu.memory_space<semaphore_mem>>
      %dma_start3A_110 = arith.constant 0 : i32
      %dma_start3A_111 = arith.constant 0 : i32
      %dma_start3A_112 = tpu.memref_slice %arg5[%arg0, %arg1, %dma_start3A_110, %dma_start3A_111] : memref<2x16x391x128xf32, #tpu.memory_space<hbm>> -> memref<1x1x391x128xf32, #tpu.memory_space<hbm>>
      %dma_start3A_113 = tpu.memref_squeeze %dma_start3A_112 : memref<1x1x391x128xf32, #tpu.memory_space<hbm>> -> memref<391x128xf32, #tpu.memory_space<hbm>>
      %dma_start3A_114 = arith.constant 0 : i32
      %dma_start3A_115 = arith.constant 0 : i32
      %dma_start3A_116 = tpu.memref_slice %arg5[%arg0, %arg1, %dma_start3A_114, %dma_start3A_115] : memref<2x16x391x128xf32, #tpu.memory_space<hbm>> -> memref<1x1x391x128xf32, #tpu.memory_space<hbm>>
      %dma_start3A_117 = tpu.memref_squeeze %dma_start3A_116 : memref<1x1x391x128xf32, #tpu.memory_space<hbm>> -> memref<391x128xf32, #tpu.memory_space<hbm>>
      tpu.enqueue_dma source(%arg6 : memref<391x128xf32, #tpu.memory_space<vmem>>) target(%dma_start3A_117 : memref<391x128xf32, #tpu.memory_space<hbm>>) target_semaphore(%run_scoped3A : memref<!tpu.dma_semaphore, #tpu.memory_space<semaphore_mem>>)
      %dma_wait3A = arith.constant 0 : i32
      %dma_wait3A_118 = arith.constant 0 : i32
      %dma_wait3A_119 = tpu.memref_slice %arg5[%arg0, %arg1, %dma_wait3A, %dma_wait3A_118] : memref<2x16x391x128xf32, #tpu.memory_space<hbm>> -> memref<1x1x391x128xf32, #tpu.memory_space<hbm>>
      %dma_wait3A_120 = tpu.memref_squeeze %dma_wait3A_119 : memref<1x1x391x128xf32, #tpu.memory_space<hbm>> -> memref<391x128xf32, #tpu.memory_space<hbm>>
      %dma_wait3A_121 = arith.constant 0 : i32
      %dma_wait3A_122 = arith.constant 0 : i32
      %dma_wait3A_123 = tpu.memref_slice %arg5[%arg0, %arg1, %dma_wait3A_121, %dma_wait3A_122] : memref<2x16x391x128xf32, #tpu.memory_space<hbm>> -> memref<1x1x391x128xf32, #tpu.memory_space<hbm>>
      %dma_wait3A_124 = tpu.memref_squeeze %dma_wait3A_123 : memref<1x1x391x128xf32, #tpu.memory_space<hbm>> -> memref<391x128xf32, #tpu.memory_space<hbm>>
      tpu.wait_dma2 semaphore(%run_scoped3A : memref<!tpu.dma_semaphore, #tpu.memory_space<semaphore_mem>>) src(%arg6 : memref<391x128xf32, #tpu.memory_space<vmem>>) dst(%dma_wait3A_124 : memref<391x128xf32, #tpu.memory_space<hbm>>)
      tpu.yield
    }) : () -> ()
    return
  }
}

module attributes {stable_mosaic.version = 14 : i64} {
  func.func @body(%arg0: i32, %arg1: memref<16x32000xf32, #tpu.memory_space<vmem>>, %arg2: memref<16x32000xf32, #tpu.memory_space<vmem>>) attributes {dimension_semantics = [#tpu.dimension_semantics<arbitrary>], iteration_bounds = array<i64: 50>, scalar_prefetch = 0 : i64, scratch_operands = 0 : i64, tpu.core_type = #tpu.core_type<tc>, window_params = [{transform_indices = @transform_0, window_bounds = array<i64: 16, 32000>}, {transform_indices = @transform_1, window_bounds = array<i64: 16, 32000>}]} {
    %get3A = arith.constant 0 : index
    %get3A_0 = arith.constant 0 : index
    %get3A_1 = vector.load %arg1[%get3A, %get3A_0] : memref<16x32000xf32, #tpu.memory_space<vmem>>, vector<16x32000xf32>
    %swap3A = arith.constant 0 : index
    %swap3A_2 = arith.constant 0 : index
    %swap3A_3 = vector.load %arg2[%swap3A, %swap3A_2] : memref<16x32000xf32, #tpu.memory_space<vmem>>, vector<16x32000xf32>
    tpu.vector_store %arg2[%swap3A, %swap3A_2], %get3A_1 {strides = array<i32>} : memref<16x32000xf32, #tpu.memory_space<vmem>>, vector<16x32000xf32>,
    return
  }
  func.func @transform_0(%arg0: i32) -> (i32, i32) {
    %c2_i32 = arith.constant 2 : i32
    %c0_i32 = arith.constant 0 : i32
    return %c2_i32, %arg0 : i32, i32
  }
  func.func @transform_1(%arg0: i32) -> (i32, i32) {
    %c0_i32 = arith.constant 0 : i32
    %c0_i32_0 = arith.constant 0 : i32
    return %c0_i32, %arg0 : i32, i32
  }
}

module attributes {stable_mosaic.version = 14 : i64} {
  func.func @body(%arg0: memref<2x16x391x128xf32, #tpu.memory_space<vmem>>, %arg1: memref<16x391x128xf32, #tpu.memory_space<vmem>>) attributes {dimension_semantics = [], scalar_prefetch = 0 : i64, scratch_operands = 0 : i64, tpu.core_type = #tpu.core_type<tc>} {
    %get3A = arith.constant 0 : index
    %get3A_0 = arith.constant 0 : index
    %get3A_1 = arith.constant 0 : index
    %get3A_2 = arith.constant 0 : index
    %get3A_3 = vector.load %arg0[%get3A, %get3A_0, %get3A_1, %get3A_2] : memref<2x16x391x128xf32, #tpu.memory_space<vmem>>, vector<1x16x391x128xf32>
    %get3A_4 = vector.shape_cast %get3A_3 : vector<1x16x391x128xf32> to vector<16x391x128xf32>
    %get3A_5 = arith.constant 1 : index
    %get3A_6 = arith.constant 0 : index
    %get3A_7 = arith.constant 0 : index
    %get3A_8 = arith.constant 0 : index
    %get3A_9 = vector.load %arg0[%get3A_5, %get3A_6, %get3A_7, %get3A_8] : memref<2x16x391x128xf32, #tpu.memory_space<vmem>>, vector<1x16x391x128xf32>
    %get3A_10 = vector.shape_cast %get3A_9 : vector<1x16x391x128xf32> to vector<16x391x128xf32>
    %add3A = arith.addf %get3A_4, %get3A_10 : vector<16x391x128xf32>
    %swap3A = arith.constant 0 : index
    %swap3A_11 = arith.constant 0 : index
    %swap3A_12 = arith.constant 0 : index
    %swap3A_13 = vector.load %arg1[%swap3A, %swap3A_11, %swap3A_12] : memref<16x391x128xf32, #tpu.memory_space<vmem>>, vector<16x391x128xf32>
    tpu.vector_store %arg1[%swap3A, %swap3A_11, %swap3A_12], %add3A {strides = array<i32>} : memref<16x391x128xf32, #tpu.memory_space<vmem>>, vector<16x391x128xf32>,
    return
  }
}

</mosaic_0001>

<sc_bundles>
// kernel: kernel.5.cloned.1.call-start
scs
__scs_entry_jumppad:
0x0: {  	(pc) =	sbr.rel $0x88, $3  }
0x1: {  	(tag) =	ssettag $0x0;
	lr =	simm.s32 $0x1  }
0x2: {  	[smem:$0x3F9E] =	sst lr;
	_ =	strace $0xD0000000  }
0x3: {  	_ = 	snop  }
0x4: {  	_ = 	snop  }
0x5: {  	_ = 	snop  }
0x6: {  	_ = 	snop  }
0x7: {  	_ = 	snop  }
__scs_overlays_trampoline_lowered:
0x8: {  	[smem:$0x3FAD] =	sst s0  }
0x9: {  	[smem:$0x3FAE] =	sst s1  }
0xa: {  	[smem:$0x3FAF] =	sst s2  }
0xb: {  	[smem:$0x3FB0] =	sst s3  }
0xc: {  	[smem:$0x3FB1] =	sst s4  }
0xd: {  	[smem:$0x3FB2] =	sst s5  }
0xe: {  	[smem:$0x3FB3] =	sst s6  }
0xf: {  	[smem:$0x3FB4] =	sst s7  }
0x10: {  	[smem:$0x3FB5] =	sst s8  }
0x11: {  	[smem:$0x3FB6] =	sst s9;
	s0 =	simm.s32 @!p0 $0x0  }
0x12: {  	s1 =	sld [smem:$0x3F9C];
	s0 =	simm.s32 @p0 $0x1  }
0x13: {  	[smem:$0x3FB7] =	sst s0;
	s0 =	simm.s32 @!p1 $0x0  }
0x14: {  	s2 =	sld [smem:$0x3F9B];
	s0 =	simm.s32 @p1 $0x1  }
0x15: {  	[smem:$0x3FB8] =	sst s0;
	s0 =	simm.s32 @!p2 $0x0  }
0x16: {  	s3 =	sld [smem:$0x3FDB];
	s0 =	simm.s32 @p2 $0x1  }
0x17: {  	s4 =	simm.s32 $0x1BF5;
	[smem:$0x3FBA] =	sst s0  }
0x18: {  	s0 =	sld [smem:$0x3F9D];
	_ =	swait.ge [sflag:s4], $0x0  }
0x19: {  	s7 =	sld [smem:$0x3F9E]  }
0x1a: {  	s8 =	sadd.s32 $0xFFFFE003, lr  }
0x1b: {  	s9 =	sadd.s32 $0xFFFFFEF7, lr;
	s5 =	simm.s32 $0xFFFFFFFF;
	p2 =	slt.u32 s8, $0xFFFFF086  }
0x1c: {  	p1 =	slt.u32 s9, $0xF7A;
	s5 =	simm.s32 @!p2 $0x0  }
0x1d: {  	s5 =	simm.s32 @p1 $0x1;
	p0 =	seq.s32 s7, s2  }
0x1e: {  	s7 =	smul.u32 @!p0 $0xF7A, s2;
	p2 =	seq.s32 @!p0 s5, $0x0  }
0x1f: {  	s9 =	smul.u32 $0xF7A, s1;
	s8 =	simm.s32 @!p0 $0x1BF5;
	p2 =	por !p2, p0  }
0x20: {  	[sflag:s8] =	ssyncset.s32 @!p0 $0xFFFFF086;
	s6 =	sadd.s32 @!p0 s3, s7;
	s7 =	simm.s32 @!p0 $0x108  }
0x21: {  	s3 =	sadd.s32 s3, s9;
	s6 =	sadd.s32 @!p0 $0x88, s6;
	s7 =	simm.s32 @p2 $0x1082  }
0x22: {  	[simem:s7], [sflag:s8] =	dma.local @!p0 [hbm:s6], $0xF7A  }
0x23: {  	s9 =	sor.u32 $0xD0000000, s2;
	s6 =	simm.s32 $0x108;
	_ =	swait.ge @!p0 [sflag:s8], $0x0  }
0x24: {  	s3 =	sadd.s32 $0x88, s3;
	s6 =	simm.s32 @!p1 $0x1082;
	[sflag:s4] =	ssyncset.s32 $0xFFFFF086  }
0x25: {  	[simem:s6], [sflag:s4] =	dma.local [hbm:s3], $0xF7A  }
0x26: {  	[smem:$0x3F9E] =	sst s1;
	(tag) =	ssettag s2;
	_ =	strace s9  }
0x27: {  	s1 =	sld [smem:$0x3FAE]  }
0x28: {  	s2 =	sld [smem:$0x3FAF]  }
0x29: {  	s4 =	sld [smem:$0x3FB1]  }
0x2a: {  	p0 =	seq.s32 s5, $0x0;
	s5 =	sld [smem:$0x3FB2]  }
0x2b: {  	s6 =	sld [smem:$0x3FB3]  }
0x2c: {  	s7 =	sld [smem:$0x3FB4]  }
0x2d: {  	s3 =	simm.s32 $0x108;
	s8 =	sld [smem:$0x3FB5]  }
0x2e: {  	s3 =	simm.s32 @!p0 $0x1082;
	s9 =	sld [smem:$0x3FB6]  }
0x2f: {  	lr =	sadd.s32 s0, s3;
	s0 =	sld [smem:$0x3FAD]  }
0x30: {  	s3 =	sld [smem:$0x3FB0]  }
0x31: {  	[smem:$0x3FB9] =	sst s10  }
0x32: {  	s10 =	sld [smem:$0x3FB7];
	_ =	sdelay $0x3  }
0x33: {  	p0 =	seq.s32 s10, $0x1;
	s10 =	sld [smem:$0x3FB9];
	_ =	sdelay $0x3  }
0x34: {  	[smem:$0x3FB9] =	sst s10  }
0x35: {  	s10 =	sld [smem:$0x3FB8];
	_ =	sdelay $0x3  }
0x36: {  	p1 =	seq.s32 s10, $0x1;
	s10 =	sld [smem:$0x3FB9];
	_ =	sdelay $0x3  }
0x37: {  	[smem:$0x3FB9] =	sst s10  }
0x38: {  	s10 =	sld [smem:$0x3FBA]  }
0x39: {  	_ = 	snop;
	(pc) =	sbr.ind lr, $3  }
0x3a: {  	_ = 	snop  }
0x3b: {  	_ = 	snop  }
0x3c: {  	p2 =	seq.s32 s10, $0x1;
	s10 =	sld [smem:$0x3FB9]  }
0x3d: {  	_ =	shalt  }
0x3e: {  	_ =	shalt  }
0x3f: {  	_ =	shalt  }
0x40: {  	_ =	shalt  }
0x41: {  	_ =	shalt  }
0x42: {  	_ =	shalt  }
0x43: {  	_ =	shalt  }
0x44: {  	_ =	shalt  }
0x45: {  	_ =	shalt  }
0x46: {  	_ =	shalt  }
0x47: {  	_ =	shalt  }
0x48: {  	_ =	shalt  }
0x49: {  	_ =	shalt  }
0x4a: {  	_ =	shalt  }
0x4b: {  	_ =	shalt  }
0x4c: {  	_ =	shalt  }
0x4d: {  	_ =	shalt  }
0x4e: {  	_ =	shalt  }
0x4f: {  	_ =	shalt  }
0x50: {  	_ =	shalt  }
0x51: {  	_ =	shalt  }
0x52: {  	_ =	shalt  }
0x53: {  	_ =	shalt  }
0x54: {  	_ =	shalt  }
0x55: {  	_ =	shalt  }
0x56: {  	_ =	shalt  }
0x57: {  	_ =	shalt  }
0x58: {  	_ =	shalt  }
0x59: {  	_ =	shalt  }
0x5a: {  	_ =	shalt  }
0x5b: {  	_ =	shalt  }
0x5c: {  	_ =	shalt  }
0x5d: {  	_ =	shalt  }
0x5e: {  	_ =	shalt  }
0x5f: {  	_ =	shalt  }
0x60: {  	_ =	shalt  }
0x61: {  	_ =	shalt  }
0x62: {  	_ =	shalt  }
0x63: {  	_ =	shalt  }
0x64: {  	_ =	shalt  }
0x65: {  	_ =	shalt  }
0x66: {  	_ =	shalt  }
0x67: {  	_ =	shalt  }
0x68: {  	_ =	shalt  }
0x69: {  	_ =	shalt  }
0x6a: {  	_ =	shalt  }
0x6b: {  	_ =	shalt  }
0x6c: {  	_ =	shalt  }
0x6d: {  	_ =	shalt  }
0x6e: {  	_ =	shalt  }
0x6f: {  	_ =	shalt  }
0x70: {  	_ =	shalt  }
0x71: {  	_ =	shalt  }
0x72: {  	_ =	shalt  }
0x73: {  	_ =	shalt  }
0x74: {  	_ =	shalt  }
0x75: {  	_ =	shalt  }
0x76: {  	_ =	shalt  }
0x77: {  	_ =	shalt  }
0x78: {  	_ =	shalt  }
0x79: {  	_ =	shalt  }
0x7a: {  	_ =	shalt  }
0x7b: {  	_ =	shalt  }
0x7c: {  	_ =	shalt  }
0x7d: {  	_ =	shalt  }
0x7e: {  	_ =	shalt  }
0x7f: {  	_ =	shalt  }
0x80: {  	_ =	shalt  }
0x81: {  	_ =	shalt  }
0x82: {  	_ =	shalt  }
0x83: {  	_ =	shalt  }
0x84: {  	_ =	shalt  }
0x85: {  	_ =	shalt  }
0x86: {  	_ =	shalt  }
0x87: {  	_ =	shalt  }
.Lfunc_end0:
.L_simem_size_0:
called_computation_lowered:
.L_overlay_start_0:
0x88: {  	s2 =	sld [smem:$0x3FD9]  }
0x89: {  	s3 =	sld [smem:$0x3FFE];
	_ =	sdelay $0x1  }
0x8a: {  	s1 =	srdreg.scid  }
0x8b: {  	s0 =	sand.u32 $0x1, s1  }
0x8c: {  	s17 =	sshll.u32 s0, $0xA;
	s2 =	sadd.s32 s3, s2  }
0x8d: {  	s2 =	sadd.s32 s2, s17  }
0x8e: {  	[smem:$0x3FC5] =	sst s2  }
0x8f: {  	_ = 	snop  }
0x90: {  	s2 =	sld [smem:$0x3FC9]  }
0x91: {  	s18 =	sld [smem:$0x3FC8]  }
0x92: {  	s4 =	sld [smem:$0x3FC7];
	(tm) =	ssettm $0x1  }
0x93: {  	s5 =	sld [smem:$0x3FFB];
	_ =	sdelay $0x3  }
0x94: {  	_ =	strace s5  }
0x95: {  	s5 =	sld [smem:$0x3FFC];
	_ =	sdelay $0x3  }
0x96: {  	_ =	strace s5  }
0x97: {  	s5 =	sld [smem:$0x3FFD];
	_ =	sdelay $0x3  }
0x98: {  	_ =	strace s5  }
0x99: {  	_ =	strace $0x8FFFFFFF  }
0x9a: {  	s19 =	sld [smem:$0x3FDB];
	_ =	sdelay $0x1  }
0x9b: {  	s6 =	simm.s32 $_scs_section_size  }
0x9c: {  	s7 =	simm.s32 $_size__tile_overlayer_lowered;
	s8 =	simm.s32 $_tile_overlayer_lowered  }
0x9d: {  	s22 =	simm.s32 $0x1BFF;
	s21 =	sshll.u32 s8, $0x1;
	s5 =	sadd.s32 s6, s19  }
0x9e: {  	s9 =	simm.s32 $0x0;
	s20 =	sshll.u32 s7, $0x1;
	s7 =	sadd.s32 s21, s5  }
0x9f: {  	[timem:s9], [sflag:s22] =	dma.local [hbm:s7], s20  }
0xa0: {  	_ =	swait.ge [sflag:s22], s20  }
0xa1: {  	s6 =	ssub.s32 $0x0, s20;
	[sflag:s22] =	ssyncset.done $0x0  }
0xa2: {  	[sflag:s22] =	ssyncadd.s32 s6;
	_ =	sdelay $0x1  }
0xa3: {  	s23 =	simm.s32 $0x1B8B  }
0xa4: {  	_ =	swait.ge [sflag:s23], $0x1  }
0xa5: {  	[sflag:s23] =	ssyncset.done $0x0  }
0xa6: {  	s25 =	simm.s32 $0x1B8E;
	s24 =	sld [smem:$0x3FFE];
	[sflag:s23] =	ssyncadd.s32 $0xFFFFFFFF  }
0xa7: {  	s26 =	simm.s32 $execute0_lowered;
	[smem:$0x3FD2] =	sst s25  }
0xa8: {  	s7 =	sshll.u32 s26, $0x1;
	_ =	strace $0x80000046;
	[dreg:$0x1] =	wrdreg $0xFFFFFFFF  }
0xa9: {  	s28 =	simm.s32 $_size_execute0_lowered;
	s5 =	sadd.s32 s5, s7;
	[dreg:$0x0] =	wrdreg $0x0  }
0xaa: {  	s7 =	sshll.u32 s28, $0x1;
	[dreg:$0x2] =	wrdreg s5  }
0xab: {  	[dreg:$0x3] =	wrdreg s7  }
0xac: {  	[dreg:$0x4] =	wrdreg $0xC0  }
0xad: {  	_ =	task [dreg:s9], $0x5FFFF  }
0xae: {  	[dreg:$0x1] =	wrdreg $0xFFFFFFFF  }
0xaf: {  	[dreg:$0x0] =	wrdreg $0x60  }
0xb0: {  	[dreg:$0x2] =	wrdreg s2  }
0xb1: {  	[dreg:$0x3] =	wrdreg s18  }
0xb2: {  	[dreg:$0x4] =	wrdreg s4  }
0xb3: {  	[dreg:$0x5] =	wrdreg s24  }
0xb4: {  	[dreg:$0x6] =	wrdreg $0x9  }
0xb5: {  	_ =	task.clear_ibuf [dreg:s9], $0x7FFFF;
	_ =	strace $0x90000046  }
0xb6: {  	s29 =	simm.s32 $0x9;
	_ =	strace $0x80000048  }
0xb7: {  	_ =	swait.ge [sflag:s29], $0x1  }
0xb8: {  	[sflag:s29] =	ssyncadd.s32 $0xFFFFFFFF  }
0xb9: {  	_ =	strace $0x90000048  }
0xba: {  	_ =	sfence  }
0xbb: {  	s30 =	sld [smem:$0x0];
	_ =	sdelay $0x2  }
0xbc: {  	s31 =	sshll.u32 s1, $0xD;
	s1 =	sshrl.u32 s1, $0x2  }
0xbd: {  	s3 =	sand.u32 $0x4000, s31;
	s1 =	sadd.s32 s1, s30  }
0xbe: {  	s0 =	sor.u32 s3, s0;
	s1 =	sshll.u32 s1, $0x11  }
0xbf: {  	s0 =	sor.u32 s1, s0  }
0xc0: {  	s0 =	sadd.s32 $0x8F2B, s0  }
0xc1: {  	[sflag:s0] =	ssyncadd.remote.s32 $0x1  }
0xc2: {  	_ =	sfence.sel $0xFFFF  }
0xc3: {  	[dreg:$0x0] =	wrdreg $0xFFFFFFFF;
	(pc) =	sbr.abs _section_cstart, $3  }
0xc4: {  	[dreg:$0x1] =	wrdreg $0xFFFFFFFF  }
0xc5: {  	_ =	task.clear_ibuf [dreg:s9], $0x2FFFF;
	_ =	strace $0x9FFFFFFF  }
0xc6: {  	(tm) =	ssettm $0x7FFFFFFF  }
0xc7: {  	_ =	shalt  }
tec
execute0_lowered:
.L_overlay_start_1:
0x0: {  	(tag) =	ssettag $0x1  }
0x1: {  	s1 =	rddreg [dreg:$0x0]  }
0x2: {  	s2 =	rddreg [dreg:$0x1]  }
0x3: {  	s3 =	rddreg [dreg:$0x2]  }
0x4: {  	s0 =	rddreg [dreg:$0x3];
	s4 =	srdreg.scid;
	s5 =	simm.s32 $0x0  }
0x5: {  	s11 =	stileid.u32;
	s16 =	simm.s32 $0x80;
	s17 =	simm.s32 $0x400  }
0x6: {  	s28 =	simm.s32 $0x2;
	s4 =	sand.u32 $0x1, s4;
	s7 =	smul.u32 $0xC380, s11  }
0x7: {  	s29 =	simm.s32 $0x3;
	s8 =	sshrl.u32 s11, $0x3;
	s6 =	smul.u32 $0xC3800, s4  }
0x8: {  	s30 =	simm.s32 $0x0;
	[smem:$0x7FF] =	sst s5;
	s8 =	smul.u32 $0xC35000, s8  }
0x9: {  	s21 =	sshll.u32 s11, $0x7;
	s20 =	ssub.s32 $0x2, s4;
	s10 =	smul.u32 $0x61A800, s4  }
0xa: {  	_ =	strace $0x80000047;
	s13 =	sand.u32 $0x380, s21;
	s9 =	sshrl.u32 s20, $0x1  }
0xb: {  	s6 =	sadd.s32 s7, s6;
	s9 =	ssub.s32 s20, s9;
	s22 =	sadd.s32 s10, s8  }
0xc: {  	s14 =	sadd.s32 $0x186A000, s8;
	s7 =	smul.u32 $0x186A, s4;
	s12 =	sor.u32 s13, s8  }
0xd: {  	s6 =	sshrl.u32 s6, $0x3;
	s23 =	sor.u32 s13, s22;
	s10 =	sadd.s32 s10, s14  }
0xe: {  	s15 =	smax.u32 s9, $0x1;
	s22 =	simm.s32 $0xD000;
	s0 =	sadd.s32 s6, s0  }
0xf: {  	s6 =	smul.u32 $0xC3500, s4;
	s24 =	sshrl.u32 s23, $0x3;
	s10 =	sor.u32 s13, s10  }
0x10: {  	s13 =	sor.u32 s13, s14;
	s23 =	simm.s32 $0xE900;
	s4 =	sadd.s32 s1, s24  }
0x11: {  	s25 =	sshrl.u32 s10, $0x3;
	s14 =	sadd.s32 $0x400, s0;
	s24 =	simm.s32 $0x10200  }
0x12: {  	[dreg:$0x5] =	wrdreg s4;
	s26 =	sshrl.u32 s6, $0x3;
	s4 =	sadd.s32 s1, s25  }
0x13: {  	s25 =	simm.s32 $0x11B00;
	[dreg:$0x6] =	wrdreg s4;
	s31 =	sadd.s32 s2, s26  }
0x14: {  	v0 =	vimm.f32 $0.0e+00;
	s11 =	sadd.s32 s3, s26;
	s26 =	simm.s32 $0x1;
	[dreg:$0x7] =	wrdreg s31  }
.LBB2_1:
0x15: {  	s0 =	simm.s32 $0x0;
	s4 =	simm.s32 $0x200  }
.LBB2_2:
0x16: {  	p0 =	sne.s32 s4, $0x30C00;
	[tilespmem:s0+$0x70] =	vst v0  }
0x17: {  	[tilespmem:s0+$0x0] =	vst v0  }
0x18: {  	[tilespmem:s0+$0x10] =	vst v0  }
.Ltmp0:
0x19: {  	[tilespmem:s0+$0x20] =	vst v0;
	(pc) =	sbr.rel @p0 .LBB2_2-.Ltmp0, $4  }
0x1a: {  	[tilespmem:s0+$0x30] =	vst v0  }
0x1b: {  	[tilespmem:s0+$0x40] =	vst v0  }
0x1c: {  	[tilespmem:s0+$0x50] =	vst v0  }
0x1d: {  	[tilespmem:s0+$0x60] =	vst v0;
	s0 =	sshra.s32 s4, $0x2;
	s4 =	sadd.s32 $0x200, s4  }
0x1e: {  	[tilespmem:s0+$0x70] =	vst v0  }
0x1f: {  	[tilespmem:s0+$0x0] =	vst v0  }
0x20: {  	[tilespmem:s0+$0x10] =	vst v0  }
0x21: {  	[tilespmem:s0+$0x20] =	vst v0  }
0x22: {  	[tilespmem:s0+$0x30] =	vst v0  }
0x23: {  	[tilespmem:s0+$0x40] =	vst v0  }
0x24: {  	[tilespmem:s0+$0x50] =	vst v0  }
0x25: {  	[tilespmem:s0+$0x60] =	vst v0;
	s9 =	rddreg [dreg:$0x5];
	s4 =	simm.s32 $0xC380  }
0x26: {  	[tilespmem:s4], [sflag:$0x1] =	stream.strided.gather [hbm4b:s9+s16], $0xC80, s17, s16, $0x38;
	[tilespmem:$0x12780] =	vst v63  }
0x27: {  	s10 =	rddreg [dreg:$0x6];
	s18 =	simm.s32 $0xDC80  }
0x28: {  	[tilespmem:s18], [sflag:$0x1] =	stream.strided.gather [hbm4b:s10+s16], $0xC80, s17, s16, $0x38;
	[tilespmem:$0x12780] =	vst v63  }
0x29: {  	s31 =	simm.s32 $0x0;
	s19 =	rddreg [dreg:$0x7];
	s20 =	simm.s32 $0xF580  }
0x2a: {  	[tilespmem:s20], [sflag:$0x1] =	stream.linear.gather [hbm4b:s19+s31], $0xC80, $0x38;
	[tilespmem:$0x12780] =	vst v63  }
0x2b: {  	s21 =	simm.s32 $0x10E80  }
0x2c: {  	[tilespmem:s21], [sflag:$0x1] =	stream.linear.gather [hbm4b:s11+s31], $0xC80, $0x38;
	[tilespmem:$0x12780] =	vst v63  }
.LBB2_4:
0x2d: {  	s0 =	sshllo.u32 s31, $0x1  }
0x2e: {  	s4 =	smul.u32 $0x19, s0;
	_ =	sdelay $0x1  }
0x2f: {  	s4 =	sadd.s32 s7, s4  }
0x30: {  	s4 =	sshll.u32 s4, $0xA  }
0x31: {  	s0 =	smul.u32 $0xC80, s0;
	s8 =	sadd.s32 s12, s4  }
0x32: {  	s4 =	sadd.s32 s13, s4;
	s8 =	sshrl.u32 s8, $0x3  }
0x33: {  	s0 =	sadd.s32 s6, s0;
	s4 =	sshrl.u32 s4, $0x3;
	s8 =	sadd.s32 s1, s8  }
0x34: {  	[tilespmem:s22], [sflag:$0x2] =	stream.strided.gather [hbm4b:s8+s16], $0xC80, s17, s16, $0x38;
	[tilespmem:$0x12780] =	vst v63  }
0x35: {  	s0 =	sshrl.u32 s0, $0x3;
	s4 =	sadd.s32 s1, s4  }
0x36: {  	[tilespmem:s23], [sflag:$0x2] =	stream.strided.gather [hbm4b:s4+s16], $0xC80, s17, s16, $0x38;
	[tilespmem:$0x12780] =	vst v63  }
0x37: {  	s21 =	sadd.s32 s2, s0  }
0x38: {  	[tilespmem:s24], [sflag:$0x2] =	stream.linear.gather [hbm4b:s21+s5], $0xC80, $0x38;
	[tilespmem:$0x12780] =	vst v63  }
0x39: {  	s0 =	sadd.s32 s3, s0  }
0x3a: {  	[tilespmem:s25], [sflag:$0x2] =	stream.linear.gather [hbm4b:s0+s5], $0xC80, $0x38;
	[tilespmem:$0x12780] =	vst v63  }
0x3b: {  	_ =	swait.ge [sflag:s26], $0xC80  }
0x3c: {  	[sflag:s26] =	ssyncset.done $0x0  }
0x3d: {  	[sflag:s26] =	ssyncadd.s32 $0xFFFFF380  }
0x3e: {  	_ =	swait.ge [sflag:s26], $0xC80  }
0x3f: {  	[sflag:s26] =	ssyncset.done $0x0  }
0x40: {  	[sflag:s26] =	ssyncadd.s32 $0xFFFFF380  }
0x41: {  	_ =	swait.ge [sflag:s26], $0xC80  }
0x42: {  	[sflag:s26] =	ssyncset.done $0x0  }
0x43: {  	[sflag:s26] =	ssyncadd.s32 $0xFFFFF380  }
0x44: {  	_ =	swait.ge [sflag:s26], $0xC80  }
0x45: {  	[sflag:s26] =	ssyncset.done $0x0  }
0x46: {  	s9 =	simm.s32 $0xF680;
	[sflag:s26] =	ssyncadd.s32 $0xFFFFF380  }
0x47: {  	v1 =	vld [tilespmem:s9+$0x80];
	_ =	sdelay $0x1  }
0x48: {  	s0 =	simm.s32 $0xC480  }
0x49: {  	v2 =	vld [tilespmem:s0+$0x80];
	_ =	sdelay $0x1  }
0x4a: {  	v3 =	vld [tilespmem:s9+$0xFFFFFF80]  }
0x4b: {  	v4 =	vld [tilespmem:s9+$0x0]  }
0x4c: {  	v6 =	vld [tilespmem:s0+$0xFFFFFF80]  }
0x4d: {  	s4 =	simm.s32 $0x10F80;
	[tilespmem:v1+s5+$0x0] =	vst.idx.add.f32.msk $0xffff, v2  }
0x4e: {  	v1 =	vld [tilespmem:s4+$0x80]  }
0x4f: {  	v7 =	vld [tilespmem:s0+$0x0]  }
0x50: {  	s18 =	simm.s32 $0xDD80;
	v5 =	vld [tilespmem:s9+$0xFFFFFF00]  }
0x51: {  	v8 =	vld [tilespmem:s18+$0x80]  }
0x52: {  	v2 =	vld [tilespmem:s0+$0xFFFFFF00]  }
0x53: {  	[tilespmem:v3+s5+$0x0] =	vst.idx.add.f32.msk $0xffff, v6  }
0x54: {  	[tilespmem:v4+s5+$0x0] =	vst.idx.add.f32.msk $0xffff, v7  }
0x55: {  	v3 =	vld [tilespmem:s4+$0xFFFFFF80]  }
0x56: {  	[tilespmem:v1+s5+$0x0] =	vst.idx.add.f32.msk $0xffff, v8  }
0x57: {  	v1 =	vld [tilespmem:s9+$0x90]  }
0x58: {  	[tilespmem:v5+s5+$0x0] =	vst.idx.add.f32.msk $0xffff, v2  }
0x59: {  	v2 =	vld [tilespmem:s4+$0xFFFFFF00]  }
0x5a: {  	v4 =	vld [tilespmem:s0+$0x90]  }
0x5b: {  	v48 =	vld [tilespmem:s18+$0xFFFFFF80]  }
0x5c: {  	v5 =	vld [tilespmem:s4+$0x0]  }
0x5d: {  	v47 =	vld [tilespmem:s18+$0xFFFFFF00]  }
0x5e: {  	v49 =	vld [tilespmem:s18+$0x0]  }
0x5f: {  	[tilespmem:v1+s5+$0x0] =	vst.idx.add.f32.msk $0xffff, v4  }
0x60: {  	v1 =	vld [tilespmem:s4+$0x90]  }
0x61: {  	[tilespmem:v3+s5+$0x0] =	vst.idx.add.f32.msk $0xffff, v48  }
0x62: {  	[tilespmem:v2+s5+$0x0] =	vst.idx.add.f32.msk $0xffff, v47  }
0x63: {  	v2 =	vld [tilespmem:s18+$0x90]  }
0x64: {  	[tilespmem:v5+s5+$0x0] =	vst.idx.add.f32.msk $0xffff, v49  }
0x65: {  	v3 =	vld [tilespmem:s9+$0xFFFFFF10]  }
0x66: {  	v5 =	vld [tilespmem:s0+$0xFFFFFF10]  }
0x67: {  	v4 =	vld [tilespmem:s9+$0xFFFFFF90]  }
0x68: {  	[tilespmem:v1+s5+$0x0] =	vst.idx.add.f32.msk $0xffff, v2  }
0x69: {  	v2 =	vld [tilespmem:s9+$0x10]  }
0x6a: {  	v1 =	vld [tilespmem:s9+$0xA0]  }
0x6b: {  	v50 =	vld [tilespmem:s0+$0xFFFFFF90]  }
0x6c: {  	v8 =	vld [tilespmem:s0+$0x10]  }
0x6d: {  	v51 =	vld [tilespmem:s0+$0xA0];
	_ =	sdelay $0x1  }
0x6e: {  	[tilespmem:v3+s5+$0x0] =	vst.idx.add.f32.msk $0xffff, v5  }
0x6f: {  	[tilespmem:v4+s5+$0x0] =	vst.idx.add.f32.msk $0xffff, v50  }
0x70: {  	[tilespmem:v2+s5+$0x0] =	vst.idx.add.f32.msk $0xffff, v8  }
0x71: {  	[tilespmem:v1+s5+$0x0] =	vst.idx.add.f32.msk $0xffff, v51  }
0x72: {  	v1 =	vld [tilespmem:s4+$0xA0]  }
0x73: {  	v2 =	vld [tilespmem:s4+$0xFFFFFF90]  }
0x74: {  	v5 =	vld [tilespmem:s4+$0x10]  }
0x75: {  	v4 =	vld [tilespmem:s18+$0xA0]  }
0x76: {  	v3 =	vld [tilespmem:s4+$0xFFFFFF10]  }
0x77: {  	v53 =	vld [tilespmem:s18+$0xFFFFFF90]  }
0x78: {  	v8 =	vld [tilespmem:s18+$0x10]  }
0x79: {  	v52 =	vld [tilespmem:s18+$0xFFFFFF10]  }
0x7a: {  	[tilespmem:v1+s5+$0x0] =	vst.idx.add.f32.msk $0xffff, v4  }
0x7b: {  	v1 =	vld [tilespmem:s9+$0xB0]  }
0x7c: {  	[tilespmem:v2+s5+$0x0] =	vst.idx.add.f32.msk $0xffff, v53  }
0x7d: {  	[tilespmem:v5+s5+$0x0] =	vst.idx.add.f32.msk $0xffff, v8  }
0x7e: {  	v2 =	vld [tilespmem:s0+$0xB0]  }
0x7f: {  	v54 =	vld [tilespmem:s0+$0xFFFFFFA0]  }
0x80: {  	v4 =	vld [tilespmem:s9+$0xFFFFFFA0]  }
0x81: {  	v5 =	vld [tilespmem:s9+$0x20]  }
0x82: {  	v8 =	vld [tilespmem:s0+$0x20]  }
0x83: {  	[tilespmem:v1+s5+$0x0] =	vst.idx.add.f32.msk $0xffff, v2  }
0x84: {  	v1 =	vld [tilespmem:s4+$0xB0]  }
0x85: {  	[tilespmem:v3+s5+$0x0] =	vst.idx.add.f32.msk $0xffff, v52  }
0x86: {  	v3 =	vld [tilespmem:s9+$0xFFFFFF20]  }
0x87: {  	v55 =	vld [tilespmem:s18+$0xB0]  }
0x88: {  	[tilespmem:v4+s5+$0x0] =	vst.idx.add.f32.msk $0xffff, v54  }
0x89: {  	[tilespmem:v5+s5+$0x0] =	vst.idx.add.f32.msk $0xffff, v8  }
0x8a: {  	v2 =	vld [tilespmem:s0+$0xFFFFFF20]  }
0x8b: {  	v4 =	vld [tilespmem:s4+$0xFFFFFFA0]  }
0x8c: {  	[tilespmem:v1+s5+$0x0] =	vst.idx.add.f32.msk $0xffff, v55  }
0x8d: {  	v1 =	vld [tilespmem:s9+$0xC0]  }
0x8e: {  	v57 =	vld [tilespmem:s18+$0xFFFFFFA0]  }
0x8f: {  	[tilespmem:v3+s5+$0x0] =	vst.idx.add.f32.msk $0xffff, v2  }
0x90: {  	v3 =	vld [tilespmem:s0+$0xC0]  }
0x91: {  	v2 =	vld [tilespmem:s4+$0xFFFFFF20]  }
0x92: {  	v5 =	vld [tilespmem:s4+$0x20]  }
0x93: {  	v56 =	vld [tilespmem:s18+$0xFFFFFF20]  }
0x94: {  	[tilespmem:v4+s5+$0x0] =	vst.idx.add.f32.msk $0xffff, v57  }
0x95: {  	[tilespmem:v1+s5+$0x0] =	vst.idx.add.f32.msk $0xffff, v3  }
0x96: {  	v3 =	vld [tilespmem:s18+$0x20]  }
0x97: {  	v1 =	vld [tilespmem:s4+$0xC0]  }
0x98: {  	v7 =	vld [tilespmem:s0+$0xFFFFFFB0]  }
0x99: {  	[tilespmem:v2+s5+$0x0] =	vst.idx.add.f32.msk $0xffff, v56  }
0x9a: {  	v2 =	vld [tilespmem:s18+$0xC0]  }
0x9b: {  	v4 =	vld [tilespmem:s9+$0xFFFFFF30]  }
0x9c: {  	[tilespmem:v5+s5+$0x0] =	vst.idx.add.f32.msk $0xffff, v3  }
0x9d: {  	v3 =	vld [tilespmem:s9+$0xFFFFFFB0]  }
0x9e: {  	v5 =	vld [tilespmem:s0+$0xFFFFFF30]  }
0x9f: {  	[tilespmem:v1+s5+$0x0] =	vst.idx.add.f32.msk $0xffff, v2  }
0xa0: {  	v1 =	vld [tilespmem:s9+$0xD0]  }
0xa1: {  	v8 =	vld [tilespmem:s0+$0x30]  }
0xa2: {  	v2 =	vld [tilespmem:s9+$0x30]  }
0xa3: {  	v58 =	vld [tilespmem:s0+$0xD0]  }
0xa4: {  	[tilespmem:v4+s5+$0x0] =	vst.idx.add.f32.msk $0xffff, v5  }
0xa5: {  	v59 =	vld [tilespmem:s18+$0xFFFFFF30]  }
0xa6: {  	[tilespmem:v3+s5+$0x0] =	vst.idx.add.f32.msk $0xffff, v7  }
0xa7: {  	v3 =	vld [tilespmem:s4+$0xFFFFFF30]  }
0xa8: {  	[tilespmem:v1+s5+$0x0] =	vst.idx.add.f32.msk $0xffff, v58  }
0xa9: {  	v1 =	vld [tilespmem:s4+$0xD0]  }
0xaa: {  	[tilespmem:v2+s5+$0x0] =	vst.idx.add.f32.msk $0xffff, v8  }
0xab: {  	v5 =	vld [tilespmem:s4+$0x30]  }
0xac: {  	v2 =	vld [tilespmem:s18+$0xD0]  }
0xad: {  	v4 =	vld [tilespmem:s4+$0xFFFFFFB0]  }
0xae: {  	v60 =	vld [tilespmem:s18+$0x30]  }
0xaf: {  	[tilespmem:v3+s5+$0x0] =	vst.idx.add.f32.msk $0xffff, v59  }
0xb0: {  	v3 =	vld [tilespmem:s9+$0xFFFFFF40]  }
0xb1: {  	[tilespmem:v1+s5+$0x0] =	vst.idx.add.f32.msk $0xffff, v2  }
0xb2: {  	v2 =	vld [tilespmem:s18+$0xFFFFFFB0]  }
0xb3: {  	v1 =	vld [tilespmem:s9+$0xE0]  }
0xb4: {  	[tilespmem:v5+s5+$0x0] =	vst.idx.add.f32.msk $0xffff, v60  }
0xb5: {  	v62 =	vld [tilespmem:s0+$0x40]  }
0xb6: {  	v61 =	vld [tilespmem:s0+$0xE0]  }
0xb7: {  	[tilespmem:v4+s5+$0x0] =	vst.idx.add.f32.msk $0xffff, v2  }
0xb8: {  	v2 =	vld [tilespmem:s9+$0x40]  }
0xb9: {  	v4 =	vld [tilespmem:s0+$0xFFFFFF40]  }
0xba: {  	v5 =	vld [tilespmem:s0+$0xFFFFFFC0]  }
0xbb: {  	[tilespmem:v1+s5+$0x0] =	vst.idx.add.f32.msk $0xffff, v61  }
0xbc: {  	v1 =	vld [tilespmem:s9+$0xFFFFFFC0]  }
0xbd: {  	v63 =	vld [tilespmem:s4+$0xE0]  }
0xbe: {  	v8 =	vld [tilespmem:s18+$0xE0]  }
0xbf: {  	[tilespmem:v3+s5+$0x0] =	vst.idx.add.f32.msk $0xffff, v4  }
0xc0: {  	v4 =	vld [tilespmem:s18+$0xFFFFFF40]  }
0xc1: {  	[tilespmem:v2+s5+$0x0] =	vst.idx.add.f32.msk $0xffff, v62  }
0xc2: {  	v3 =	vld [tilespmem:s4+$0x40]  }
0xc3: {  	v6 =	vld [tilespmem:s18+$0x40]  }
0xc4: {  	[tilespmem:v1+s5+$0x0] =	vst.idx.add.f32.msk $0xffff, v5  }
0xc5: {  	v1 =	vld [tilespmem:s4+$0xFFFFFF40]  }
0xc6: {  	v2 =	vld [tilespmem:s4+$0xFFFFFFC0]  }
0xc7: {  	v5 =	vld [tilespmem:s18+$0xFFFFFFC0]  }
0xc8: {  	[tilespmem:v63+s5+$0x0] =	vst.idx.add.f32.msk $0xffff, v8  }
0xc9: {  	v7 =	vld [tilespmem:s9+$0xF0]  }
0xca: {  	v8 =	vld [tilespmem:s0+$0xF0]  }
0xcb: {  	[tilespmem:v3+s5+$0x0] =	vst.idx.add.f32.msk $0xffff, v6  }
0xcc: {  	v3 =	vld [tilespmem:s9+$0x50]  }
0xcd: {  	v6 =	vld [tilespmem:s0+$0x50]  }
0xce: {  	[tilespmem:v1+s5+$0x0] =	vst.idx.add.f32.msk $0xffff, v4  }
0xcf: {  	[tilespmem:v2+s5+$0x0] =	vst.idx.add.f32.msk $0xffff, v5  }
0xd0: {  	v1 =	vld [tilespmem:s9+$0xFFFFFF50]  }
0xd1: {  	v4 =	vld [tilespmem:s0+$0xFFFFFF50]  }
0xd2: {  	v2 =	vld [tilespmem:s9+$0xFFFFFFD0]  }
0xd3: {  	v5 =	vld [tilespmem:s0+$0xFFFFFFD0]  }
0xd4: {  	[tilespmem:v7+s5+$0x0] =	vst.idx.add.f32.msk $0xffff, v8  }
0xd5: {  	v7 =	vld [tilespmem:s4+$0xF0]  }
0xd6: {  	v8 =	vld [tilespmem:s18+$0xF0]  }
0xd7: {  	[tilespmem:v3+s5+$0x0] =	vst.idx.add.f32.msk $0xffff, v6  }
0xd8: {  	v3 =	vld [tilespmem:s4+$0x50]  }
0xd9: {  	v6 =	vld [tilespmem:s18+$0x50]  }
0xda: {  	[tilespmem:v1+s5+$0x0] =	vst.idx.add.f32.msk $0xffff, v4  }
0xdb: {  	v1 =	vld [tilespmem:s4+$0xFFFFFF50]  }
0xdc: {  	[tilespmem:v2+s5+$0x0] =	vst.idx.add.f32.msk $0xffff, v5  }
0xdd: {  	v2 =	vld [tilespmem:s4+$0xFFFFFFD0]  }
0xde: {  	v4 =	vld [tilespmem:s18+$0xFFFFFF50]  }
0xdf: {  	v5 =	vld [tilespmem:s18+$0xFFFFFFD0]  }
0xe0: {  	[tilespmem:v3+s5+$0x0] =	vst.idx.add.f32.msk $0xffff, v6  }
0xe1: {  	v3 =	vld [tilespmem:s9+$0x60]  }
0xe2: {  	v6 =	vld [tilespmem:s0+$0x60]  }
0xe3: {  	[tilespmem:v1+s5+$0x0] =	vst.idx.add.f32.msk $0xffff, v4  }
0xe4: {  	v1 =	vld [tilespmem:s9+$0xFFFFFF60]  }
0xe5: {  	[tilespmem:v2+s5+$0x0] =	vst.idx.add.f32.msk $0xffff, v5  }
0xe6: {  	v2 =	vld [tilespmem:s9+$0xFFFFFFE0]  }
0xe7: {  	v4 =	vld [tilespmem:s0+$0xFFFFFF60]  }
0xe8: {  	v5 =	vld [tilespmem:s0+$0xFFFFFFE0]  }
0xe9: {  	[tilespmem:v3+s5+$0x0] =	vst.idx.add.f32.msk $0xffff, v6  }
0xea: {  	v3 =	vld [tilespmem:s4+$0x60]  }
0xeb: {  	v6 =	vld [tilespmem:s18+$0x60]  }
0xec: {  	[tilespmem:v1+s5+$0x0] =	vst.idx.add.f32.msk $0xffff, v4  }
0xed: {  	v1 =	vld [tilespmem:s4+$0xFFFFFF60]  }
0xee: {  	[tilespmem:v2+s5+$0x0] =	vst.idx.add.f32.msk $0xffff, v5  }
0xef: {  	v2 =	vld [tilespmem:s4+$0xFFFFFFE0]  }
0xf0: {  	v4 =	vld [tilespmem:s18+$0xFFFFFF60];
	_ =	sdelay $0x1  }
0xf1: {  	v5 =	vld [tilespmem:s18+$0xFFFFFFE0]  }
0xf2: {  	[tilespmem:v7+s5+$0x0] =	vst.idx.add.f32.msk $0xffff, v8  }
0xf3: {  	[tilespmem:v3+s5+$0x0] =	vst.idx.add.f32.msk $0xffff, v6  }
0xf4: {  	[tilespmem:v1+s5+$0x0] =	vst.idx.add.f32.msk $0xffff, v4  }
0xf5: {  	v1 =	vld [tilespmem:s9+$0x70]  }
0xf6: {  	[tilespmem:v2+s5+$0x0] =	vst.idx.add.f32.msk $0xffff, v5  }
0xf7: {  	s19 =	sshll.u32 s31, $0x1;
	s10 =	simm.s32 $0xF880;
	s20 =	simm.s32 $0xDD80;
	v3 =	vld [tilespmem:s9+$0xFFFFFF70]  }
0xf8: {  	s8 =	simm.s32 $0x0;
	s21 =	simm.s32 $0x10F80;
	v2 =	vld [tilespmem:s9+$0xFFFFFFF0];
	s9 =	simm.s32 $0xC480  }
.LBB2_5:
0xf9: {  	v4 =	vld [tilespmem:s10+$0x80];
	s8 =	sadd.s32 $0x4, s8  }
0xfa: {  	v5 =	vld [tilespmem:s10+$0xFFFFFF80];
	p0 =	slt.u32 s8, $0x14  }
0xfb: {  	s0 =	sadd.s32 $0x200, s0;
	v6 =	vld [tilespmem:s10+$0x0]  }
0xfc: {  	v7 =	vld [tilespmem:s0+$0x80]  }
0xfd: {  	v8 =	vld [tilespmem:s10+$0xFFFFFF00]  }
0xfe: {  	v9 =	vld [tilespmem:s0+$0xFFFFFF00]  }
0xff: {  	v10 =	vld [tilespmem:s0+$0xFFFFFF80]  }
0x100: {  	v11 =	vld [tilespmem:s0+$0x0]  }
0x101: {  	s4 =	sadd.s32 $0x200, s4;
	[tilespmem:v4+s5+$0x0] =	vst.idx.add.f32.msk $0xffff, v7  }
0x102: {  	v4 =	vld [tilespmem:s4+$0x80]  }
0x103: {  	v7 =	vld [tilespmem:s9+$0xFFFFFF70]  }
0x104: {  	s18 =	sadd.s32 $0x200, s18;
	[tilespmem:v5+s5+$0x0] =	vst.idx.add.f32.msk $0xffff, v10  }
0x105: {  	v5 =	vld [tilespmem:s18+$0x80]  }
0x106: {  	[tilespmem:v8+s5+$0x0] =	vst.idx.add.f32.msk $0xffff, v9  }
0x107: {  	[tilespmem:v6+s5+$0x0] =	vst.idx.add.f32.msk $0xffff, v11  }
0x108: {  	v6 =	vld [tilespmem:s4+$0xFFFFFF00]  }
0x109: {  	v8 =	vld [tilespmem:s4+$0xFFFFFF80]  }
0x10a: {  	[tilespmem:v4+s5+$0x0] =	vst.idx.add.f32.msk $0xffff, v5  }
0x10b: {  	v5 =	vld [tilespmem:s10+$0x90]  }
0x10c: {  	v9 =	vld [tilespmem:s4+$0x0]  }
0x10d: {  	v10 =	vld [tilespmem:s18+$0xFFFFFF00]  }
0x10e: {  	v11 =	vld [tilespmem:s0+$0x90]  }
0x10f: {  	v12 =	vld [tilespmem:s18+$0xFFFFFF80]  }
0x110: {  	v13 =	vld [tilespmem:s18+$0x0]  }
0x111: {  	v4 =	vld [tilespmem:s9+$0xFFFFFFF0]  }
0x112: {  	[tilespmem:v6+s5+$0x0] =	vst.idx.add.f32.msk $0xffff, v10  }
0x113: {  	[tilespmem:v5+s5+$0x0] =	vst.idx.add.f32.msk $0xffff, v11  }
0x114: {  	v5 =	vld [tilespmem:s4+$0x90]  }
0x115: {  	[tilespmem:v8+s5+$0x0] =	vst.idx.add.f32.msk $0xffff, v12  }
0x116: {  	[tilespmem:v9+s5+$0x0] =	vst.idx.add.f32.msk $0xffff, v13  }
0x117: {  	v6 =	vld [tilespmem:s18+$0x90]  }
0x118: {  	v8 =	vld [tilespmem:s10+$0xFFFFFF10]  }
0x119: {  	v9 =	vld [tilespmem:s10+$0xFFFFFF90]  }
0x11a: {  	v10 =	vld [tilespmem:s10+$0x10]  }
0x11b: {  	v11 =	vld [tilespmem:s0+$0xFFFFFF10]  }
0x11c: {  	[tilespmem:v5+s5+$0x0] =	vst.idx.add.f32.msk $0xffff, v6  }
0x11d: {  	v5 =	vld [tilespmem:s10+$0xA0]  }
0x11e: {  	v6 =	vld [tilespmem:s0+$0xFFFFFF90]  }
0x11f: {  	v12 =	vld [tilespmem:s0+$0x10]  }
0x120: {  	v13 =	vld [tilespmem:s0+$0xA0]  }
0x121: {  	[tilespmem:v8+s5+$0x0] =	vst.idx.add.f32.msk $0xffff, v11  }
0x122: {  	v8 =	vld [tilespmem:s4+$0xFFFFFF10]  }
0x123: {  	[tilespmem:v9+s5+$0x0] =	vst.idx.add.f32.msk $0xffff, v6  }
0x124: {  	[tilespmem:v10+s5+$0x0] =	vst.idx.add.f32.msk $0xffff, v12  }
0x125: {  	[tilespmem:v5+s5+$0x0] =	vst.idx.add.f32.msk $0xffff, v13  }
0x126: {  	v6 =	vld [tilespmem:s4+$0xA0]  }
0x127: {  	v9 =	vld [tilespmem:s4+$0xFFFFFF90]  }
0x128: {  	v10 =	vld [tilespmem:s4+$0x10]  }
0x129: {  	v11 =	vld [tilespmem:s18+$0xA0]  }
0x12a: {  	v12 =	vld [tilespmem:s18+$0xFFFFFF10]  }
0x12b: {  	v13 =	vld [tilespmem:s18+$0xFFFFFF90]  }
0x12c: {  	v14 =	vld [tilespmem:s18+$0x10]  }
0x12d: {  	v5 =	vld [tilespmem:s9+$0x70];
	s9 =	smov.u32 s0  }
0x12e: {  	[tilespmem:v6+s5+$0x0] =	vst.idx.add.f32.msk $0xffff, v11  }
0x12f: {  	v6 =	vld [tilespmem:s10+$0xB0]  }
0x130: {  	[tilespmem:v8+s5+$0x0] =	vst.idx.add.f32.msk $0xffff, v12  }
0x131: {  	[tilespmem:v9+s5+$0x0] =	vst.idx.add.f32.msk $0xffff, v13  }
0x132: {  	v8 =	vld [tilespmem:s0+$0xB0]  }
0x133: {  	[tilespmem:v10+s5+$0x0] =	vst.idx.add.f32.msk $0xffff, v14  }
0x134: {  	v9 =	vld [tilespmem:s10+$0xFFFFFF20]  }
0x135: {  	v10 =	vld [tilespmem:s10+$0xFFFFFFA0]  }
0x136: {  	v11 =	vld [tilespmem:s10+$0x20]  }
0x137: {  	[tilespmem:v6+s5+$0x0] =	vst.idx.add.f32.msk $0xffff, v8  }
0x138: {  	v6 =	vld [tilespmem:s4+$0xB0]  }
0x139: {  	v8 =	vld [tilespmem:s0+$0xFFFFFF20]  }
0x13a: {  	v12 =	vld [tilespmem:s0+$0xFFFFFFA0]  }
0x13b: {  	v13 =	vld [tilespmem:s18+$0xB0]  }
0x13c: {  	v14 =	vld [tilespmem:s0+$0x20]  }
0x13d: {  	[tilespmem:v3+s5+$0x0] =	vst.idx.add.f32.msk $0xffff, v7  }
0x13e: {  	[tilespmem:v9+s5+$0x0] =	vst.idx.add.f32.msk $0xffff, v8  }
0x13f: {  	[tilespmem:v10+s5+$0x0] =	vst.idx.add.f32.msk $0xffff, v12  }
0x140: {  	[tilespmem:v6+s5+$0x0] =	vst.idx.add.f32.msk $0xffff, v13  }
0x141: {  	v3 =	vld [tilespmem:s10+$0xC0]  }
0x142: {  	[tilespmem:v11+s5+$0x0] =	vst.idx.add.f32.msk $0xffff, v14  }
0x143: {  	v6 =	vld [tilespmem:s4+$0xFFFFFF20]  }
0x144: {  	v7 =	vld [tilespmem:s0+$0xC0]  }
0x145: {  	v8 =	vld [tilespmem:s4+$0xFFFFFFA0]  }
0x146: {  	v9 =	vld [tilespmem:s4+$0x20]  }
0x147: {  	v10 =	vld [tilespmem:s18+$0xFFFFFF20]  }
0x148: {  	v11 =	vld [tilespmem:s18+$0xFFFFFFA0]  }
0x149: {  	[tilespmem:v3+s5+$0x0] =	vst.idx.add.f32.msk $0xffff, v7  }
0x14a: {  	v3 =	vld [tilespmem:s4+$0xC0]  }
0x14b: {  	v7 =	vld [tilespmem:s18+$0x20]  }
0x14c: {  	[tilespmem:v6+s5+$0x0] =	vst.idx.add.f32.msk $0xffff, v10  }
0x14d: {  	v6 =	vld [tilespmem:s18+$0xC0]  }
0x14e: {  	[tilespmem:v8+s5+$0x0] =	vst.idx.add.f32.msk $0xffff, v11  }
0x14f: {  	v8 =	vld [tilespmem:s10+$0xFFFFFF30]  }
0x150: {  	[tilespmem:v9+s5+$0x0] =	vst.idx.add.f32.msk $0xffff, v7  }
0x151: {  	v7 =	vld [tilespmem:s10+$0xFFFFFFB0]  }
0x152: {  	[tilespmem:v3+s5+$0x0] =	vst.idx.add.f32.msk $0xffff, v6  }
0x153: {  	v3 =	vld [tilespmem:s10+$0xD0]  }
0x154: {  	v6 =	vld [tilespmem:s10+$0x30]  }
0x155: {  	v9 =	vld [tilespmem:s0+$0xFFFFFF30]  }
0x156: {  	v10 =	vld [tilespmem:s0+$0xD0]  }
0x157: {  	v11 =	vld [tilespmem:s0+$0xFFFFFFB0]  }
0x158: {  	v12 =	vld [tilespmem:s0+$0x30]  }
0x159: {  	[tilespmem:v2+s5+$0x0] =	vst.idx.add.f32.msk $0xffff, v4  }
0x15a: {  	[tilespmem:v8+s5+$0x0] =	vst.idx.add.f32.msk $0xffff, v9  }
0x15b: {  	[tilespmem:v3+s5+$0x0] =	vst.idx.add.f32.msk $0xffff, v10  }
0x15c: {  	v2 =	vld [tilespmem:s4+$0xD0]  }
0x15d: {  	[tilespmem:v7+s5+$0x0] =	vst.idx.add.f32.msk $0xffff, v11  }
0x15e: {  	[tilespmem:v6+s5+$0x0] =	vst.idx.add.f32.msk $0xffff, v12  }
0x15f: {  	v3 =	vld [tilespmem:s18+$0xD0]  }
0x160: {  	v4 =	vld [tilespmem:s4+$0xFFFFFF30]  }
0x161: {  	v6 =	vld [tilespmem:s4+$0xFFFFFFB0]  }
0x162: {  	v7 =	vld [tilespmem:s4+$0x30]  }
0x163: {  	v8 =	vld [tilespmem:s18+$0xFFFFFF30]  }
0x164: {  	[tilespmem:v2+s5+$0x0] =	vst.idx.add.f32.msk $0xffff, v3  }
0x165: {  	v2 =	vld [tilespmem:s10+$0xE0]  }
0x166: {  	v3 =	vld [tilespmem:s18+$0xFFFFFFB0]  }
0x167: {  	v9 =	vld [tilespmem:s18+$0x30]  }
0x168: {  	v10 =	vld [tilespmem:s0+$0xE0]  }
0x169: {  	[tilespmem:v4+s5+$0x0] =	vst.idx.add.f32.msk $0xffff, v8  }
0x16a: {  	v4 =	vld [tilespmem:s10+$0xFFFFFF40]  }
0x16b: {  	[tilespmem:v6+s5+$0x0] =	vst.idx.add.f32.msk $0xffff, v3  }
0x16c: {  	[tilespmem:v7+s5+$0x0] =	vst.idx.add.f32.msk $0xffff, v9  }
0x16d: {  	[tilespmem:v2+s5+$0x0] =	vst.idx.add.f32.msk $0xffff, v10  }
0x16e: {  	v2 =	vld [tilespmem:s4+$0xE0]  }
0x16f: {  	v3 =	vld [tilespmem:s10+$0xFFFFFFC0]  }
0x170: {  	v6 =	vld [tilespmem:s10+$0x40]  }
0x171: {  	v7 =	vld [tilespmem:s18+$0xE0]  }
0x172: {  	v8 =	vld [tilespmem:s0+$0xFFFFFF40]  }
0x173: {  	v9 =	vld [tilespmem:s0+$0xFFFFFFC0]  }
0x174: {  	v10 =	vld [tilespmem:s0+$0x40]  }
0x175: {  	[tilespmem:v1+s5+$0x0] =	vst.idx.add.f32.msk $0xffff, v5  }
0x176: {  	[tilespmem:v2+s5+$0x0] =	vst.idx.add.f32.msk $0xffff, v7  }
0x177: {  	v1 =	vld [tilespmem:s10+$0xF0]  }
0x178: {  	[tilespmem:v4+s5+$0x0] =	vst.idx.add.f32.msk $0xffff, v8  }
0x179: {  	[tilespmem:v3+s5+$0x0] =	vst.idx.add.f32.msk $0xffff, v9  }
0x17a: {  	v2 =	vld [tilespmem:s0+$0xF0]  }
0x17b: {  	[tilespmem:v6+s5+$0x0] =	vst.idx.add.f32.msk $0xffff, v10  }
0x17c: {  	v3 =	vld [tilespmem:s4+$0xFFFFFF40]  }
0x17d: {  	v4 =	vld [tilespmem:s4+$0xFFFFFFC0]  }
0x17e: {  	v5 =	vld [tilespmem:s4+$0x40]  }
0x17f: {  	[tilespmem:v1+s5+$0x0] =	vst.idx.add.f32.msk $0xffff, v2  }
0x180: {  	v1 =	vld [tilespmem:s4+$0xF0]  }
0x181: {  	v2 =	vld [tilespmem:s18+$0xFFFFFF40]  }
0x182: {  	v6 =	vld [tilespmem:s18+$0xFFFFFFC0]  }
0x183: {  	v7 =	vld [tilespmem:s18+$0xF0]  }
0x184: {  	v8 =	vld [tilespmem:s18+$0x40]  }
0x185: {  	v9 =	vld [tilespmem:s21+$0xFFFFFF70]  }
0x186: {  	[tilespmem:v3+s5+$0x0] =	vst.idx.add.f32.msk $0xffff, v2  }
0x187: {  	[tilespmem:v4+s5+$0x0] =	vst.idx.add.f32.msk $0xffff, v6  }
0x188: {  	[tilespmem:v1+s5+$0x0] =	vst.idx.add.f32.msk $0xffff, v7  }
0x189: {  	[tilespmem:v5+s5+$0x0] =	vst.idx.add.f32.msk $0xffff, v8  }
0x18a: {  	v1 =	vld [tilespmem:s10+$0xFFFFFF50]  }
0x18b: {  	v2 =	vld [tilespmem:s10+$0xFFFFFFD0]  }
0x18c: {  	v3 =	vld [tilespmem:s10+$0x50]  }
0x18d: {  	v4 =	vld [tilespmem:s0+$0xFFFFFF50]  }
0x18e: {  	v5 =	vld [tilespmem:s0+$0xFFFFFFD0]  }
0x18f: {  	v6 =	vld [tilespmem:s0+$0x50]  }
0x190: {  	v7 =	vld [tilespmem:s21+$0xFFFFFFF0]  }
0x191: {  	v8 =	vld [tilespmem:s21+$0x70];
	s21 =	smov.u32 s4  }
0x192: {  	[tilespmem:v1+s5+$0x0] =	vst.idx.add.f32.msk $0xffff, v4  }
0x193: {  	[tilespmem:v2+s5+$0x0] =	vst.idx.add.f32.msk $0xffff, v5  }
0x194: {  	[tilespmem:v3+s5+$0x0] =	vst.idx.add.f32.msk $0xffff, v6  }
0x195: {  	v1 =	vld [tilespmem:s4+$0xFFFFFF50]  }
0x196: {  	v2 =	vld [tilespmem:s4+$0xFFFFFFD0]  }
0x197: {  	v3 =	vld [tilespmem:s4+$0x50]  }
0x198: {  	v4 =	vld [tilespmem:s18+$0xFFFFFF50]  }
0x199: {  	v5 =	vld [tilespmem:s18+$0xFFFFFFD0]  }
0x19a: {  	v6 =	vld [tilespmem:s18+$0x50]  }
0x19b: {  	v10 =	vld [tilespmem:s20+$0xFFFFFF70]  }
0x19c: {  	v11 =	vld [tilespmem:s20+$0xFFFFFFF0]  }
0x19d: {  	[tilespmem:v1+s5+$0x0] =	vst.idx.add.f32.msk $0xffff, v4  }
0x19e: {  	[tilespmem:v2+s5+$0x0] =	vst.idx.add.f32.msk $0xffff, v5  }
0x19f: {  	[tilespmem:v3+s5+$0x0] =	vst.idx.add.f32.msk $0xffff, v6  }
0x1a0: {  	v1 =	vld [tilespmem:s10+$0xFFFFFF60]  }
0x1a1: {  	v2 =	vld [tilespmem:s10+$0xFFFFFFE0]  }
0x1a2: {  	v3 =	vld [tilespmem:s10+$0x60]  }
0x1a3: {  	v4 =	vld [tilespmem:s0+$0xFFFFFF60]  }
0x1a4: {  	v5 =	vld [tilespmem:s0+$0xFFFFFFE0]  }
0x1a5: {  	v6 =	vld [tilespmem:s0+$0x60]  }
0x1a6: {  	v12 =	vld [tilespmem:s20+$0x70];
	s20 =	smov.u32 s18  }
0x1a7: {  	[tilespmem:v9+s5+$0x0] =	vst.idx.add.f32.msk $0xffff, v10  }
0x1a8: {  	[tilespmem:v1+s5+$0x0] =	vst.idx.add.f32.msk $0xffff, v4  }
0x1a9: {  	[tilespmem:v2+s5+$0x0] =	vst.idx.add.f32.msk $0xffff, v5  }
0x1aa: {  	[tilespmem:v3+s5+$0x0] =	vst.idx.add.f32.msk $0xffff, v6  }
0x1ab: {  	v1 =	vld [tilespmem:s4+$0xFFFFFF60]  }
0x1ac: {  	v2 =	vld [tilespmem:s4+$0xFFFFFFE0]  }
0x1ad: {  	v3 =	vld [tilespmem:s4+$0x60]  }
0x1ae: {  	v4 =	vld [tilespmem:s18+$0xFFFFFF60]  }
0x1af: {  	v5 =	vld [tilespmem:s18+$0xFFFFFFE0]  }
0x1b0: {  	v6 =	vld [tilespmem:s18+$0x60]  }
0x1b1: {  	[tilespmem:v7+s5+$0x0] =	vst.idx.add.f32.msk $0xffff, v11  }
0x1b2: {  	[tilespmem:v8+s5+$0x0] =	vst.idx.add.f32.msk $0xffff, v12  }
0x1b3: {  	[tilespmem:v1+s5+$0x0] =	vst.idx.add.f32.msk $0xffff, v4  }
.Ltmp1:
0x1b4: {  	[tilespmem:v2+s5+$0x0] =	vst.idx.add.f32.msk $0xffff, v5;
	(pc) =	sbr.rel @p0 .LBB2_5-.Ltmp1, $4  }
0x1b5: {  	[tilespmem:v3+s5+$0x0] =	vst.idx.add.f32.msk $0xffff, v6  }
0x1b6: {  	v3 =	vld [tilespmem:s10+$0xFFFFFF70]  }
0x1b7: {  	v2 =	vld [tilespmem:s10+$0xFFFFFFF0]  }
0x1b8: {  	v1 =	vld [tilespmem:s10+$0x70];
	s10 =	sadd.s32 $0x200, s10  }
0x1b9: {  	_ = 	snop  }
0x1ba: {  	v4 =	vld [tilespmem:s9+$0xFFFFFF70]  }
0x1bb: {  	v5 =	vld [tilespmem:s9+$0xFFFFFFF0]  }
0x1bc: {  	v6 =	vld [tilespmem:s9+$0x70];
	_ =	sdelay $0x2  }
0x1bd: {  	[tilespmem:v3+s5+$0x0] =	vst.idx.add.f32.msk $0xffff, v4  }
0x1be: {  	[tilespmem:v2+s5+$0x0] =	vst.idx.add.f32.msk $0xffff, v5  }
0x1bf: {  	[tilespmem:v1+s5+$0x0] =	vst.idx.add.f32.msk $0xffff, v6  }
0x1c0: {  	v1 =	vld [tilespmem:s21+$0xFFFFFF70]  }
0x1c1: {  	v2 =	vld [tilespmem:s21+$0xFFFFFFF0]  }
0x1c2: {  	v3 =	vld [tilespmem:s21+$0x70]  }
0x1c3: {  	v4 =	vld [tilespmem:s20+$0xFFFFFF70]  }
0x1c4: {  	v5 =	vld [tilespmem:s20+$0xFFFFFFF0]  }
0x1c5: {  	v6 =	vld [tilespmem:s20+$0x70];
	_ =	sdelay $0x2  }
0x1c6: {  	[tilespmem:v1+s5+$0x0] =	vst.idx.add.f32.msk $0xffff, v4  }
0x1c7: {  	[tilespmem:v2+s5+$0x0] =	vst.idx.add.f32.msk $0xffff, v5  }
0x1c8: {  	[tilespmem:v3+s5+$0x0] =	vst.idx.add.f32.msk $0xffff, v6  }
0x1c9: {  	v1 =	vld [tilespmem:$0x10180];
	_ =	sdelay $0x2  }
0x1ca: {  	v2 =	vld [tilespmem:$0xCF80];
	_ =	sdelay $0x4  }
0x1cb: {  	[tilespmem:v1+s5+$0x0] =	vst.idx.add.f32.msk $0xffff, v2  }
0x1cc: {  	v1 =	vld [tilespmem:$0x11A80];
	_ =	sdelay $0x2  }
0x1cd: {  	v2 =	vld [tilespmem:$0xE880];
	_ =	sdelay $0x4  }
0x1ce: {  	[tilespmem:v1+s5+$0x0] =	vst.idx.add.f32.msk $0xffff, v2  }
0x1cf: {  	v1 =	vld [tilespmem:$0x10190];
	_ =	sdelay $0x2  }
0x1d0: {  	v2 =	vld [tilespmem:$0xCF90];
	_ =	sdelay $0x4  }
0x1d1: {  	[tilespmem:v1+s5+$0x0] =	vst.idx.add.f32.msk $0xffff, v2  }
0x1d2: {  	v1 =	vld [tilespmem:$0x11A90];
	_ =	sdelay $0x2  }
0x1d3: {  	v2 =	vld [tilespmem:$0xE890];
	_ =	sdelay $0x4  }
0x1d4: {  	[tilespmem:v1+s5+$0x0] =	vst.idx.add.f32.msk $0xffff, v2  }
0x1d5: {  	v1 =	vld [tilespmem:$0x101A0];
	_ =	sdelay $0x2  }
0x1d6: {  	v2 =	vld [tilespmem:$0xCFA0];
	_ =	sdelay $0x4  }
0x1d7: {  	[tilespmem:v1+s5+$0x0] =	vst.idx.add.f32.msk $0xffff, v2  }
0x1d8: {  	v1 =	vld [tilespmem:$0x11AA0];
	_ =	sdelay $0x2  }
0x1d9: {  	v2 =	vld [tilespmem:$0xE8A0];
	_ =	sdelay $0x4  }
0x1da: {  	[tilespmem:v1+s5+$0x0] =	vst.idx.add.f32.msk $0xffff, v2  }
0x1db: {  	v1 =	vld [tilespmem:$0x101B0];
	_ =	sdelay $0x2  }
0x1dc: {  	v2 =	vld [tilespmem:$0xCFB0];
	_ =	sdelay $0x4  }
0x1dd: {  	[tilespmem:v1+s5+$0x0] =	vst.idx.add.f32.msk $0xffff, v2  }
0x1de: {  	v1 =	vld [tilespmem:$0x11AB0];
	_ =	sdelay $0x2  }
0x1df: {  	v2 =	vld [tilespmem:$0xE8B0];
	_ =	sdelay $0x4  }
0x1e0: {  	[tilespmem:v1+s5+$0x0] =	vst.idx.add.f32.msk $0xffff, v2  }
0x1e1: {  	v1 =	vld [tilespmem:$0x101C0];
	_ =	sdelay $0x2  }
0x1e2: {  	v2 =	vld [tilespmem:$0xCFC0];
	_ =	sdelay $0x4  }
0x1e3: {  	[tilespmem:v1+s5+$0x0] =	vst.idx.add.f32.msk $0xffff, v2  }
0x1e4: {  	v1 =	vld [tilespmem:$0x11AC0];
	_ =	sdelay $0x2  }
0x1e5: {  	v2 =	vld [tilespmem:$0xE8C0];
	_ =	sdelay $0x4  }
0x1e6: {  	[tilespmem:v1+s5+$0x0] =	vst.idx.add.f32.msk $0xffff, v2  }
0x1e7: {  	v1 =	vld [tilespmem:$0x101D0];
	_ =	sdelay $0x2  }
0x1e8: {  	v2 =	vld [tilespmem:$0xCFD0];
	_ =	sdelay $0x4  }
0x1e9: {  	[tilespmem:v1+s5+$0x0] =	vst.idx.add.f32.msk $0xffff, v2  }
0x1ea: {  	v1 =	vld [tilespmem:$0x11AD0];
	_ =	sdelay $0x2  }
0x1eb: {  	v2 =	vld [tilespmem:$0xE8D0];
	_ =	sdelay $0x4  }
0x1ec: {  	[tilespmem:v1+s5+$0x0] =	vst.idx.add.f32.msk $0xffff, v2  }
0x1ed: {  	v1 =	vld [tilespmem:$0x101E0];
	_ =	sdelay $0x2  }
0x1ee: {  	v2 =	vld [tilespmem:$0xCFE0];
	_ =	sdelay $0x4  }
0x1ef: {  	[tilespmem:v1+s5+$0x0] =	vst.idx.add.f32.msk $0xffff, v2  }
0x1f0: {  	v1 =	vld [tilespmem:$0x11AE0];
	_ =	sdelay $0x2  }
0x1f1: {  	v2 =	vld [tilespmem:$0xE8E0];
	_ =	sdelay $0x4  }
0x1f2: {  	[tilespmem:v1+s5+$0x0] =	vst.idx.add.f32.msk $0xffff, v2  }
0x1f3: {  	v1 =	vld [tilespmem:$0x101F0];
	_ =	sdelay $0x2  }
0x1f4: {  	v2 =	vld [tilespmem:$0xCFF0];
	_ =	sdelay $0x4  }
0x1f5: {  	[tilespmem:v1+s5+$0x0] =	vst.idx.add.f32.msk $0xffff, v2  }
0x1f6: {  	p0 =	seq.s32 s31, $0x7C;
	v1 =	vld [tilespmem:$0x11AF0]  }
0x1f7: {  	s0 =	sadd.s32 @!p0 $0x2, s19  }
0x1f8: {  	s4 =	smul.u32 @!p0 $0x19, s0  }
0x1f9: {  	v2 =	vld [tilespmem:$0xE8F0]  }
0x1fa: {  	s4 =	sadd.s32 @!p0 s7, s4  }
0x1fb: {  	s9 =	simm.s32 @!p0 $0x80;
	s4 =	sshll.u32 @!p0 s4, $0xA  }
0x1fc: {  	s10 =	simm.s32 @!p0 $0x400;
	s0 =	smul.u32 @!p0 $0xC80, s0;
	s8 =	sadd.s32 @!p0 s12, s4  }
0x1fd: {  	s18 =	simm.s32 @!p0 $0xC380;
	s4 =	sadd.s32 @!p0 s13, s4;
	s8 =	sshrl.u32 @!p0 s8, $0x3  }
0x1fe: {  	s0 =	sadd.s32 @!p0 s6, s0;
	s4 =	sshrl.u32 @!p0 s4, $0x3;
	s8 =	sadd.s32 @!p0 s1, s8;
	[tilespmem:v1+s5+$0x0] =	vst.idx.add.f32.msk $0xffff, v2  }
0x1ff: {  	[tilespmem:s18], [sflag:$0x1] =	stream.strided.gather @!p0 [hbm4b:s8+s9], $0xC80, s10, s9, $0x38;
	[tilespmem:$0x12780] =	vst v63  }
0x200: {  	s0 =	sshrl.u32 @!p0 s0, $0x3;
	s4 =	sadd.s32 @!p0 s1, s4;
	s8 =	simm.s32 @!p0 $0xDC80  }
0x201: {  	[tilespmem:s8], [sflag:$0x1] =	stream.strided.gather @!p0 [hbm4b:s4+s9], $0xC80, s10, s9, $0x38;
	[tilespmem:$0x12780] =	vst v63  }
0x202: {  	s4 =	sadd.s32 @!p0 s2, s0;
	s8 =	simm.s32 @!p0 $0x0;
	s9 =	simm.s32 @!p0 $0xF580  }
0x203: {  	[tilespmem:s9], [sflag:$0x1] =	stream.linear.gather @!p0 [hbm4b:s4+s8], $0xC80, $0x38;
	[tilespmem:$0x12780] =	vst v63  }
0x204: {  	s0 =	sadd.s32 @!p0 s3, s0;
	s4 =	simm.s32 @!p0 $0x10E80  }
0x205: {  	[tilespmem:s4], [sflag:$0x1] =	stream.linear.gather @!p0 [hbm4b:s0+s8], $0xC80, $0x38;
	[tilespmem:$0x12780] =	vst v63  }
0x206: {  	_ =	swait.ge [sflag:s28], $0xC80  }
0x207: {  	[sflag:s28] =	ssyncset.done $0x0  }
0x208: {  	[sflag:s28] =	ssyncadd.s32 $0xFFFFF380  }
0x209: {  	_ =	swait.ge [sflag:s28], $0xC80  }
0x20a: {  	[sflag:s28] =	ssyncset.done $0x0  }
0x20b: {  	[sflag:s28] =	ssyncadd.s32 $0xFFFFF380  }
0x20c: {  	_ =	swait.ge [sflag:s28], $0xC80  }
0x20d: {  	[sflag:s28] =	ssyncset.done $0x0  }
0x20e: {  	[sflag:s28] =	ssyncadd.s32 $0xFFFFF380  }
0x20f: {  	_ =	swait.ge [sflag:s28], $0xC80  }
0x210: {  	[sflag:s28] =	ssyncset.done $0x0  }
0x211: {  	s21 =	simm.s32 $0x103F0;
	[sflag:s28] =	ssyncadd.s32 $0xFFFFF380  }
0x212: {  	v1 =	vld [tilespmem:s21+$0xFFFFFF90];
	_ =	sdelay $0x1  }
0x213: {  	s0 =	simm.s32 $0xD1F0  }
0x214: {  	v2 =	vld [tilespmem:s0+$0xFFFFFF90];
	_ =	sdelay $0x1  }
0x215: {  	v3 =	vld [tilespmem:s21+$0xFFFFFE90]  }
0x216: {  	v4 =	vld [tilespmem:s21+$0xFFFFFF10]  }
0x217: {  	v46 =	vld [tilespmem:s0+$0xFFFFFE90]  }
0x218: {  	s4 =	simm.s32 $0x11CF0;
	[tilespmem:v1+s5+$0x0] =	vst.idx.add.f32.msk $0xffff, v2  }
0x219: {  	v1 =	vld [tilespmem:s4+$0xFFFFFF90]  }
0x21a: {  	v7 =	vld [tilespmem:s0+$0xFFFFFF10]  }
0x21b: {  	s18 =	simm.s32 $0xEAF0;
	v5 =	vld [tilespmem:s21+$0xFFFFFE10]  }
0x21c: {  	v8 =	vld [tilespmem:s18+$0xFFFFFF90]  }
0x21d: {  	v2 =	vld [tilespmem:s0+$0xFFFFFE10]  }
0x21e: {  	[tilespmem:v3+s5+$0x0] =	vst.idx.add.f32.msk $0xffff, v46  }
0x21f: {  	[tilespmem:v4+s5+$0x0] =	vst.idx.add.f32.msk $0xffff, v7  }
0x220: {  	v3 =	vld [tilespmem:s4+$0xFFFFFE90]  }
0x221: {  	[tilespmem:v1+s5+$0x0] =	vst.idx.add.f32.msk $0xffff, v8  }
0x222: {  	v1 =	vld [tilespmem:s21+$0xFFFFFFA0]  }
0x223: {  	[tilespmem:v5+s5+$0x0] =	vst.idx.add.f32.msk $0xffff, v2  }
0x224: {  	v2 =	vld [tilespmem:s4+$0xFFFFFE10]  }
0x225: {  	v4 =	vld [tilespmem:s0+$0xFFFFFFA0]  }
0x226: {  	v48 =	vld [tilespmem:s18+$0xFFFFFE90]  }
0x227: {  	v5 =	vld [tilespmem:s4+$0xFFFFFF10]  }
0x228: {  	v47 =	vld [tilespmem:s18+$0xFFFFFE10]  }
0x229: {  	v49 =	vld [tilespmem:s18+$0xFFFFFF10]  }
0x22a: {  	[tilespmem:v1+s5+$0x0] =	vst.idx.add.f32.msk $0xffff, v4  }
0x22b: {  	v1 =	vld [tilespmem:s4+$0xFFFFFFA0]  }
0x22c: {  	[tilespmem:v3+s5+$0x0] =	vst.idx.add.f32.msk $0xffff, v48  }
0x22d: {  	[tilespmem:v2+s5+$0x0] =	vst.idx.add.f32.msk $0xffff, v47  }
0x22e: {  	v2 =	vld [tilespmem:s18+$0xFFFFFFA0]  }
0x22f: {  	[tilespmem:v5+s5+$0x0] =	vst.idx.add.f32.msk $0xffff, v49  }
0x230: {  	v3 =	vld [tilespmem:s21+$0xFFFFFE20]  }
0x231: {  	v5 =	vld [tilespmem:s0+$0xFFFFFE20]  }
0x232: {  	v4 =	vld [tilespmem:s21+$0xFFFFFEA0]  }
0x233: {  	[tilespmem:v1+s5+$0x0] =	vst.idx.add.f32.msk $0xffff, v2  }
0x234: {  	v2 =	vld [tilespmem:s21+$0xFFFFFF20]  }
0x235: {  	v1 =	vld [tilespmem:s21+$0xFFFFFFB0]  }
0x236: {  	v50 =	vld [tilespmem:s0+$0xFFFFFEA0]  }
0x237: {  	v8 =	vld [tilespmem:s0+$0xFFFFFF20]  }
0x238: {  	v51 =	vld [tilespmem:s0+$0xFFFFFFB0];
	_ =	sdelay $0x1  }
0x239: {  	[tilespmem:v3+s5+$0x0] =	vst.idx.add.f32.msk $0xffff, v5  }
0x23a: {  	[tilespmem:v4+s5+$0x0] =	vst.idx.add.f32.msk $0xffff, v50  }
0x23b: {  	[tilespmem:v2+s5+$0x0] =	vst.idx.add.f32.msk $0xffff, v8  }
0x23c: {  	[tilespmem:v1+s5+$0x0] =	vst.idx.add.f32.msk $0xffff, v51  }
0x23d: {  	v1 =	vld [tilespmem:s4+$0xFFFFFFB0]  }
0x23e: {  	v2 =	vld [tilespmem:s4+$0xFFFFFEA0]  }
0x23f: {  	v5 =	vld [tilespmem:s4+$0xFFFFFF20]  }
0x240: {  	v4 =	vld [tilespmem:s18+$0xFFFFFFB0]  }
0x241: {  	v3 =	vld [tilespmem:s4+$0xFFFFFE20]  }
0x242: {  	v53 =	vld [tilespmem:s18+$0xFFFFFEA0]  }
0x243: {  	v8 =	vld [tilespmem:s18+$0xFFFFFF20]  }
0x244: {  	v52 =	vld [tilespmem:s18+$0xFFFFFE20]  }
0x245: {  	[tilespmem:v1+s5+$0x0] =	vst.idx.add.f32.msk $0xffff, v4  }
0x246: {  	v1 =	vld [tilespmem:s21+$0xFFFFFFC0]  }
0x247: {  	[tilespmem:v2+s5+$0x0] =	vst.idx.add.f32.msk $0xffff, v53  }
0x248: {  	[tilespmem:v5+s5+$0x0] =	vst.idx.add.f32.msk $0xffff, v8  }
0x249: {  	v2 =	vld [tilespmem:s0+$0xFFFFFFC0]  }
0x24a: {  	v54 =	vld [tilespmem:s0+$0xFFFFFEB0]  }
0x24b: {  	v4 =	vld [tilespmem:s21+$0xFFFFFEB0]  }
0x24c: {  	v5 =	vld [tilespmem:s21+$0xFFFFFF30]  }
0x24d: {  	v8 =	vld [tilespmem:s0+$0xFFFFFF30]  }
0x24e: {  	[tilespmem:v1+s5+$0x0] =	vst.idx.add.f32.msk $0xffff, v2  }
0x24f: {  	v1 =	vld [tilespmem:s4+$0xFFFFFFC0]  }
0x250: {  	[tilespmem:v3+s5+$0x0] =	vst.idx.add.f32.msk $0xffff, v52  }
0x251: {  	v3 =	vld [tilespmem:s21+$0xFFFFFE30]  }
0x252: {  	v55 =	vld [tilespmem:s18+$0xFFFFFFC0]  }
0x253: {  	[tilespmem:v4+s5+$0x0] =	vst.idx.add.f32.msk $0xffff, v54  }
0x254: {  	[tilespmem:v5+s5+$0x0] =	vst.idx.add.f32.msk $0xffff, v8  }
0x255: {  	v2 =	vld [tilespmem:s0+$0xFFFFFE30]  }
0x256: {  	v4 =	vld [tilespmem:s4+$0xFFFFFEB0]  }
0x257: {  	[tilespmem:v1+s5+$0x0] =	vst.idx.add.f32.msk $0xffff, v55  }
0x258: {  	v1 =	vld [tilespmem:s21+$0xFFFFFFD0]  }
0x259: {  	v57 =	vld [tilespmem:s18+$0xFFFFFEB0]  }
0x25a: {  	[tilespmem:v3+s5+$0x0] =	vst.idx.add.f32.msk $0xffff, v2  }
0x25b: {  	v3 =	vld [tilespmem:s0+$0xFFFFFFD0]  }
0x25c: {  	v2 =	vld [tilespmem:s4+$0xFFFFFE30]  }
0x25d: {  	v5 =	vld [tilespmem:s4+$0xFFFFFF30]  }
0x25e: {  	v56 =	vld [tilespmem:s18+$0xFFFFFE30]  }
0x25f: {  	[tilespmem:v4+s5+$0x0] =	vst.idx.add.f32.msk $0xffff, v57  }
0x260: {  	[tilespmem:v1+s5+$0x0] =	vst.idx.add.f32.msk $0xffff, v3  }
0x261: {  	v3 =	vld [tilespmem:s18+$0xFFFFFF30]  }
0x262: {  	v1 =	vld [tilespmem:s4+$0xFFFFFFD0]  }
0x263: {  	v7 =	vld [tilespmem:s0+$0xFFFFFEC0]  }
0x264: {  	[tilespmem:v2+s5+$0x0] =	vst.idx.add.f32.msk $0xffff, v56  }
0x265: {  	v2 =	vld [tilespmem:s18+$0xFFFFFFD0]  }
0x266: {  	v4 =	vld [tilespmem:s21+$0xFFFFFE40]  }
0x267: {  	[tilespmem:v5+s5+$0x0] =	vst.idx.add.f32.msk $0xffff, v3  }
0x268: {  	v3 =	vld [tilespmem:s21+$0xFFFFFEC0]  }
0x269: {  	v5 =	vld [tilespmem:s0+$0xFFFFFE40]  }
0x26a: {  	[tilespmem:v1+s5+$0x0] =	vst.idx.add.f32.msk $0xffff, v2  }
0x26b: {  	v1 =	vld [tilespmem:s21+$0xFFFFFFE0]  }
0x26c: {  	v8 =	vld [tilespmem:s0+$0xFFFFFF40]  }
0x26d: {  	v2 =	vld [tilespmem:s21+$0xFFFFFF40]  }
0x26e: {  	v58 =	vld [tilespmem:s0+$0xFFFFFFE0]  }
0x26f: {  	[tilespmem:v4+s5+$0x0] =	vst.idx.add.f32.msk $0xffff, v5  }
0x270: {  	v59 =	vld [tilespmem:s18+$0xFFFFFE40]  }
0x271: {  	[tilespmem:v3+s5+$0x0] =	vst.idx.add.f32.msk $0xffff, v7  }
0x272: {  	v3 =	vld [tilespmem:s4+$0xFFFFFE40]  }
0x273: {  	[tilespmem:v1+s5+$0x0] =	vst.idx.add.f32.msk $0xffff, v58  }
0x274: {  	v1 =	vld [tilespmem:s4+$0xFFFFFFE0]  }
0x275: {  	[tilespmem:v2+s5+$0x0] =	vst.idx.add.f32.msk $0xffff, v8  }
0x276: {  	v5 =	vld [tilespmem:s4+$0xFFFFFF40]  }
0x277: {  	v2 =	vld [tilespmem:s18+$0xFFFFFFE0]  }
0x278: {  	v4 =	vld [tilespmem:s4+$0xFFFFFEC0]  }
0x279: {  	v60 =	vld [tilespmem:s18+$0xFFFFFF40]  }
0x27a: {  	[tilespmem:v3+s5+$0x0] =	vst.idx.add.f32.msk $0xffff, v59  }
0x27b: {  	v3 =	vld [tilespmem:s21+$0xFFFFFE50]  }
0x27c: {  	[tilespmem:v1+s5+$0x0] =	vst.idx.add.f32.msk $0xffff, v2  }
0x27d: {  	v2 =	vld [tilespmem:s18+$0xFFFFFEC0]  }
0x27e: {  	v1 =	vld [tilespmem:s21+$0xFFFFFFF0]  }
0x27f: {  	[tilespmem:v5+s5+$0x0] =	vst.idx.add.f32.msk $0xffff, v60  }
0x280: {  	v62 =	vld [tilespmem:s0+$0xFFFFFF50]  }
0x281: {  	v61 =	vld [tilespmem:s0+$0xFFFFFFF0]  }
0x282: {  	[tilespmem:v4+s5+$0x0] =	vst.idx.add.f32.msk $0xffff, v2  }
0x283: {  	v2 =	vld [tilespmem:s21+$0xFFFFFF50]  }
0x284: {  	v4 =	vld [tilespmem:s0+$0xFFFFFE50]  }
0x285: {  	v5 =	vld [tilespmem:s0+$0xFFFFFED0]  }
0x286: {  	[tilespmem:v1+s5+$0x0] =	vst.idx.add.f32.msk $0xffff, v61  }
0x287: {  	v1 =	vld [tilespmem:s21+$0xFFFFFED0]  }
0x288: {  	v63 =	vld [tilespmem:s4+$0xFFFFFFF0]  }
0x289: {  	v8 =	vld [tilespmem:s18+$0xFFFFFFF0]  }
0x28a: {  	[tilespmem:v3+s5+$0x0] =	vst.idx.add.f32.msk $0xffff, v4  }
0x28b: {  	v4 =	vld [tilespmem:s18+$0xFFFFFE50]  }
0x28c: {  	[tilespmem:v2+s5+$0x0] =	vst.idx.add.f32.msk $0xffff, v62  }
0x28d: {  	v3 =	vld [tilespmem:s4+$0xFFFFFF50]  }
0x28e: {  	v6 =	vld [tilespmem:s18+$0xFFFFFF50]  }
0x28f: {  	[tilespmem:v1+s5+$0x0] =	vst.idx.add.f32.msk $0xffff, v5  }
0x290: {  	v1 =	vld [tilespmem:s4+$0xFFFFFE50]  }
0x291: {  	v2 =	vld [tilespmem:s4+$0xFFFFFED0]  }
0x292: {  	v5 =	vld [tilespmem:s18+$0xFFFFFED0]  }
0x293: {  	[tilespmem:v63+s5+$0x0] =	vst.idx.add.f32.msk $0xffff, v8  }
0x294: {  	v7 =	vld [tilespmem:s21+$0x0]  }
0x295: {  	v8 =	vld [tilespmem:s0+$0x0]  }
0x296: {  	[tilespmem:v3+s5+$0x0] =	vst.idx.add.f32.msk $0xffff, v6  }
0x297: {  	v3 =	vld [tilespmem:s21+$0xFFFFFF60]  }
0x298: {  	v6 =	vld [tilespmem:s0+$0xFFFFFF60]  }
0x299: {  	[tilespmem:v1+s5+$0x0] =	vst.idx.add.f32.msk $0xffff, v4  }
0x29a: {  	[tilespmem:v2+s5+$0x0] =	vst.idx.add.f32.msk $0xffff, v5  }
0x29b: {  	v1 =	vld [tilespmem:s21+$0xFFFFFE60]  }
0x29c: {  	v4 =	vld [tilespmem:s0+$0xFFFFFE60]  }
0x29d: {  	v2 =	vld [tilespmem:s21+$0xFFFFFEE0]  }
0x29e: {  	v5 =	vld [tilespmem:s0+$0xFFFFFEE0]  }
0x29f: {  	[tilespmem:v7+s5+$0x0] =	vst.idx.add.f32.msk $0xffff, v8  }
0x2a0: {  	v7 =	vld [tilespmem:s4+$0x0]  }
0x2a1: {  	v8 =	vld [tilespmem:s18+$0x0]  }
0x2a2: {  	[tilespmem:v3+s5+$0x0] =	vst.idx.add.f32.msk $0xffff, v6  }
0x2a3: {  	v3 =	vld [tilespmem:s4+$0xFFFFFF60]  }
0x2a4: {  	v6 =	vld [tilespmem:s18+$0xFFFFFF60]  }
0x2a5: {  	[tilespmem:v1+s5+$0x0] =	vst.idx.add.f32.msk $0xffff, v4  }
0x2a6: {  	v1 =	vld [tilespmem:s4+$0xFFFFFE60]  }
0x2a7: {  	[tilespmem:v2+s5+$0x0] =	vst.idx.add.f32.msk $0xffff, v5  }
0x2a8: {  	v2 =	vld [tilespmem:s4+$0xFFFFFEE0]  }
0x2a9: {  	v4 =	vld [tilespmem:s18+$0xFFFFFE60]  }
0x2aa: {  	v5 =	vld [tilespmem:s18+$0xFFFFFEE0]  }
0x2ab: {  	[tilespmem:v3+s5+$0x0] =	vst.idx.add.f32.msk $0xffff, v6  }
0x2ac: {  	v3 =	vld [tilespmem:s21+$0xFFFFFF70]  }
0x2ad: {  	v6 =	vld [tilespmem:s0+$0xFFFFFF70]  }
0x2ae: {  	[tilespmem:v1+s5+$0x0] =	vst.idx.add.f32.msk $0xffff, v4  }
0x2af: {  	v1 =	vld [tilespmem:s21+$0xFFFFFE70]  }
0x2b0: {  	[tilespmem:v2+s5+$0x0] =	vst.idx.add.f32.msk $0xffff, v5  }
0x2b1: {  	v2 =	vld [tilespmem:s21+$0xFFFFFEF0]  }
0x2b2: {  	v4 =	vld [tilespmem:s0+$0xFFFFFE70]  }
0x2b3: {  	v5 =	vld [tilespmem:s0+$0xFFFFFEF0]  }
0x2b4: {  	[tilespmem:v3+s5+$0x0] =	vst.idx.add.f32.msk $0xffff, v6  }
0x2b5: {  	v3 =	vld [tilespmem:s4+$0xFFFFFF70]  }
0x2b6: {  	v6 =	vld [tilespmem:s18+$0xFFFFFF70]  }
0x2b7: {  	[tilespmem:v1+s5+$0x0] =	vst.idx.add.f32.msk $0xffff, v4  }
0x2b8: {  	v1 =	vld [tilespmem:s4+$0xFFFFFE70]  }
0x2b9: {  	[tilespmem:v2+s5+$0x0] =	vst.idx.add.f32.msk $0xffff, v5  }
0x2ba: {  	v2 =	vld [tilespmem:s4+$0xFFFFFEF0]  }
0x2bb: {  	v4 =	vld [tilespmem:s18+$0xFFFFFE70];
	_ =	sdelay $0x1  }
0x2bc: {  	v5 =	vld [tilespmem:s18+$0xFFFFFEF0]  }
0x2bd: {  	[tilespmem:v7+s5+$0x0] =	vst.idx.add.f32.msk $0xffff, v8  }
0x2be: {  	[tilespmem:v3+s5+$0x0] =	vst.idx.add.f32.msk $0xffff, v6  }
0x2bf: {  	[tilespmem:v1+s5+$0x0] =	vst.idx.add.f32.msk $0xffff, v4  }
0x2c0: {  	v1 =	vld [tilespmem:s21+$0xFFFFFF80]  }
0x2c1: {  	[tilespmem:v2+s5+$0x0] =	vst.idx.add.f32.msk $0xffff, v5  }
0x2c2: {  	s19 =	simm.s32 $0xEAF0;
	s20 =	simm.s32 $0x11CF0;
	v3 =	vld [tilespmem:s21+$0xFFFFFE80]  }
0x2c3: {  	s10 =	simm.s32 $0x105F0;
	s9 =	simm.s32 $0xD1F0;
	s8 =	simm.s32 $0x0;
	v2 =	vld [tilespmem:s21+$0xFFFFFF00]  }
.LBB2_7:
0x2c4: {  	v4 =	vld [tilespmem:s10+$0xFFFFFF90];
	s8 =	sadd.s32 $0x4, s8  }
0x2c5: {  	v5 =	vld [tilespmem:s10+$0xFFFFFE90];
	p0 =	slt.u32 s8, $0x14  }
0x2c6: {  	s0 =	sadd.s32 $0x200, s0;
	v6 =	vld [tilespmem:s10+$0xFFFFFF10]  }
0x2c7: {  	v7 =	vld [tilespmem:s0+$0xFFFFFF90]  }
0x2c8: {  	v8 =	vld [tilespmem:s10+$0xFFFFFE10]  }
0x2c9: {  	v9 =	vld [tilespmem:s0+$0xFFFFFE10]  }
0x2ca: {  	v10 =	vld [tilespmem:s0+$0xFFFFFE90]  }
0x2cb: {  	v11 =	vld [tilespmem:s0+$0xFFFFFF10]  }
0x2cc: {  	s4 =	sadd.s32 $0x200, s4;
	[tilespmem:v4+s5+$0x0] =	vst.idx.add.f32.msk $0xffff, v7  }
0x2cd: {  	v4 =	vld [tilespmem:s4+$0xFFFFFF90]  }
0x2ce: {  	v7 =	vld [tilespmem:s9+$0xFFFFFE80]  }
0x2cf: {  	s18 =	sadd.s32 $0x200, s18;
	[tilespmem:v5+s5+$0x0] =	vst.idx.add.f32.msk $0xffff, v10  }
0x2d0: {  	v5 =	vld [tilespmem:s18+$0xFFFFFF90]  }
0x2d1: {  	[tilespmem:v8+s5+$0x0] =	vst.idx.add.f32.msk $0xffff, v9  }
0x2d2: {  	[tilespmem:v6+s5+$0x0] =	vst.idx.add.f32.msk $0xffff, v11  }
0x2d3: {  	v6 =	vld [tilespmem:s4+$0xFFFFFE10]  }
0x2d4: {  	v8 =	vld [tilespmem:s4+$0xFFFFFE90]  }
0x2d5: {  	[tilespmem:v4+s5+$0x0] =	vst.idx.add.f32.msk $0xffff, v5  }
0x2d6: {  	v5 =	vld [tilespmem:s10+$0xFFFFFFA0]  }
0x2d7: {  	v9 =	vld [tilespmem:s4+$0xFFFFFF10]  }
0x2d8: {  	v10 =	vld [tilespmem:s18+$0xFFFFFE10]  }
0x2d9: {  	v11 =	vld [tilespmem:s0+$0xFFFFFFA0]  }
0x2da: {  	v12 =	vld [tilespmem:s18+$0xFFFFFE90]  }
0x2db: {  	v13 =	vld [tilespmem:s18+$0xFFFFFF10]  }
0x2dc: {  	v4 =	vld [tilespmem:s9+$0xFFFFFF00]  }
0x2dd: {  	[tilespmem:v6+s5+$0x0] =	vst.idx.add.f32.msk $0xffff, v10  }
0x2de: {  	[tilespmem:v5+s5+$0x0] =	vst.idx.add.f32.msk $0xffff, v11  }
0x2df: {  	v5 =	vld [tilespmem:s4+$0xFFFFFFA0]  }
0x2e0: {  	[tilespmem:v8+s5+$0x0] =	vst.idx.add.f32.msk $0xffff, v12  }
0x2e1: {  	[tilespmem:v9+s5+$0x0] =	vst.idx.add.f32.msk $0xffff, v13  }
0x2e2: {  	v6 =	vld [tilespmem:s18+$0xFFFFFFA0]  }
0x2e3: {  	v8 =	vld [tilespmem:s10+$0xFFFFFE20]  }
0x2e4: {  	v9 =	vld [tilespmem:s10+$0xFFFFFEA0]  }
0x2e5: {  	v10 =	vld [tilespmem:s10+$0xFFFFFF20]  }
0x2e6: {  	v11 =	vld [tilespmem:s0+$0xFFFFFE20]  }
0x2e7: {  	[tilespmem:v5+s5+$0x0] =	vst.idx.add.f32.msk $0xffff, v6  }
0x2e8: {  	v5 =	vld [tilespmem:s10+$0xFFFFFFB0]  }
0x2e9: {  	v6 =	vld [tilespmem:s0+$0xFFFFFEA0]  }
0x2ea: {  	v12 =	vld [tilespmem:s0+$0xFFFFFF20]  }
0x2eb: {  	v13 =	vld [tilespmem:s0+$0xFFFFFFB0]  }
0x2ec: {  	[tilespmem:v8+s5+$0x0] =	vst.idx.add.f32.msk $0xffff, v11  }
0x2ed: {  	v8 =	vld [tilespmem:s4+$0xFFFFFE20]  }
0x2ee: {  	[tilespmem:v9+s5+$0x0] =	vst.idx.add.f32.msk $0xffff, v6  }
0x2ef: {  	[tilespmem:v10+s5+$0x0] =	vst.idx.add.f32.msk $0xffff, v12  }
0x2f0: {  	[tilespmem:v5+s5+$0x0] =	vst.idx.add.f32.msk $0xffff, v13  }
0x2f1: {  	v6 =	vld [tilespmem:s4+$0xFFFFFFB0]  }
0x2f2: {  	v9 =	vld [tilespmem:s4+$0xFFFFFEA0]  }
0x2f3: {  	v10 =	vld [tilespmem:s4+$0xFFFFFF20]  }
0x2f4: {  	v11 =	vld [tilespmem:s18+$0xFFFFFFB0]  }
0x2f5: {  	v12 =	vld [tilespmem:s18+$0xFFFFFE20]  }
0x2f6: {  	v13 =	vld [tilespmem:s18+$0xFFFFFEA0]  }
0x2f7: {  	v14 =	vld [tilespmem:s18+$0xFFFFFF20]  }
0x2f8: {  	v5 =	vld [tilespmem:s9+$0xFFFFFF80];
	s9 =	smov.u32 s0  }
0x2f9: {  	[tilespmem:v6+s5+$0x0] =	vst.idx.add.f32.msk $0xffff, v11  }
0x2fa: {  	v6 =	vld [tilespmem:s10+$0xFFFFFFC0]  }
0x2fb: {  	[tilespmem:v8+s5+$0x0] =	vst.idx.add.f32.msk $0xffff, v12  }
0x2fc: {  	[tilespmem:v9+s5+$0x0] =	vst.idx.add.f32.msk $0xffff, v13  }
0x2fd: {  	v8 =	vld [tilespmem:s0+$0xFFFFFFC0]  }
0x2fe: {  	[tilespmem:v10+s5+$0x0] =	vst.idx.add.f32.msk $0xffff, v14  }
0x2ff: {  	v9 =	vld [tilespmem:s10+$0xFFFFFE30]  }
0x300: {  	v10 =	vld [tilespmem:s10+$0xFFFFFEB0]  }
0x301: {  	v11 =	vld [tilespmem:s10+$0xFFFFFF30]  }
0x302: {  	[tilespmem:v6+s5+$0x0] =	vst.idx.add.f32.msk $0xffff, v8  }
0x303: {  	v6 =	vld [tilespmem:s4+$0xFFFFFFC0]  }
0x304: {  	v8 =	vld [tilespmem:s0+$0xFFFFFE30]  }
0x305: {  	v12 =	vld [tilespmem:s0+$0xFFFFFEB0]  }
0x306: {  	v13 =	vld [tilespmem:s18+$0xFFFFFFC0]  }
0x307: {  	v14 =	vld [tilespmem:s0+$0xFFFFFF30]  }
0x308: {  	[tilespmem:v3+s5+$0x0] =	vst.idx.add.f32.msk $0xffff, v7  }
0x309: {  	[tilespmem:v9+s5+$0x0] =	vst.idx.add.f32.msk $0xffff, v8  }
0x30a: {  	[tilespmem:v10+s5+$0x0] =	vst.idx.add.f32.msk $0xffff, v12  }
0x30b: {  	[tilespmem:v6+s5+$0x0] =	vst.idx.add.f32.msk $0xffff, v13  }
0x30c: {  	v3 =	vld [tilespmem:s10+$0xFFFFFFD0]  }
0x30d: {  	[tilespmem:v11+s5+$0x0] =	vst.idx.add.f32.msk $0xffff, v14  }
0x30e: {  	v6 =	vld [tilespmem:s4+$0xFFFFFE30]  }
0x30f: {  	v7 =	vld [tilespmem:s0+$0xFFFFFFD0]  }
0x310: {  	v8 =	vld [tilespmem:s4+$0xFFFFFEB0]  }
0x311: {  	v9 =	vld [tilespmem:s4+$0xFFFFFF30]  }
0x312: {  	v10 =	vld [tilespmem:s18+$0xFFFFFE30]  }
0x313: {  	v11 =	vld [tilespmem:s18+$0xFFFFFEB0]  }
0x314: {  	[tilespmem:v3+s5+$0x0] =	vst.idx.add.f32.msk $0xffff, v7  }
0x315: {  	v3 =	vld [tilespmem:s4+$0xFFFFFFD0]  }
0x316: {  	v7 =	vld [tilespmem:s18+$0xFFFFFF30]  }
0x317: {  	[tilespmem:v6+s5+$0x0] =	vst.idx.add.f32.msk $0xffff, v10  }
0x318: {  	v6 =	vld [tilespmem:s18+$0xFFFFFFD0]  }
0x319: {  	[tilespmem:v8+s5+$0x0] =	vst.idx.add.f32.msk $0xffff, v11  }
0x31a: {  	v8 =	vld [tilespmem:s10+$0xFFFFFE40]  }
0x31b: {  	[tilespmem:v9+s5+$0x0] =	vst.idx.add.f32.msk $0xffff, v7  }
0x31c: {  	v7 =	vld [tilespmem:s10+$0xFFFFFEC0]  }
0x31d: {  	[tilespmem:v3+s5+$0x0] =	vst.idx.add.f32.msk $0xffff, v6  }
0x31e: {  	v3 =	vld [tilespmem:s10+$0xFFFFFFE0]  }
0x31f: {  	v6 =	vld [tilespmem:s10+$0xFFFFFF40]  }
0x320: {  	v9 =	vld [tilespmem:s0+$0xFFFFFE40]  }
0x321: {  	v10 =	vld [tilespmem:s0+$0xFFFFFFE0]  }
0x322: {  	v11 =	vld [tilespmem:s0+$0xFFFFFEC0]  }
0x323: {  	v12 =	vld [tilespmem:s0+$0xFFFFFF40]  }
0x324: {  	[tilespmem:v2+s5+$0x0] =	vst.idx.add.f32.msk $0xffff, v4  }
0x325: {  	[tilespmem:v8+s5+$0x0] =	vst.idx.add.f32.msk $0xffff, v9  }
0x326: {  	[tilespmem:v3+s5+$0x0] =	vst.idx.add.f32.msk $0xffff, v10  }
0x327: {  	v2 =	vld [tilespmem:s4+$0xFFFFFFE0]  }
0x328: {  	[tilespmem:v7+s5+$0x0] =	vst.idx.add.f32.msk $0xffff, v11  }
0x329: {  	[tilespmem:v6+s5+$0x0] =	vst.idx.add.f32.msk $0xffff, v12  }
0x32a: {  	v3 =	vld [tilespmem:s18+$0xFFFFFFE0]  }
0x32b: {  	v4 =	vld [tilespmem:s4+$0xFFFFFE40]  }
0x32c: {  	v6 =	vld [tilespmem:s4+$0xFFFFFEC0]  }
0x32d: {  	v7 =	vld [tilespmem:s4+$0xFFFFFF40]  }
0x32e: {  	v8 =	vld [tilespmem:s18+$0xFFFFFE40]  }
0x32f: {  	[tilespmem:v2+s5+$0x0] =	vst.idx.add.f32.msk $0xffff, v3  }
0x330: {  	v2 =	vld [tilespmem:s10+$0xFFFFFFF0]  }
0x331: {  	v3 =	vld [tilespmem:s18+$0xFFFFFEC0]  }
0x332: {  	v9 =	vld [tilespmem:s18+$0xFFFFFF40]  }
0x333: {  	v10 =	vld [tilespmem:s0+$0xFFFFFFF0]  }
0x334: {  	[tilespmem:v4+s5+$0x0] =	vst.idx.add.f32.msk $0xffff, v8  }
0x335: {  	v4 =	vld [tilespmem:s10+$0xFFFFFE50]  }
0x336: {  	[tilespmem:v6+s5+$0x0] =	vst.idx.add.f32.msk $0xffff, v3  }
0x337: {  	[tilespmem:v7+s5+$0x0] =	vst.idx.add.f32.msk $0xffff, v9  }
0x338: {  	[tilespmem:v2+s5+$0x0] =	vst.idx.add.f32.msk $0xffff, v10  }
0x339: {  	v2 =	vld [tilespmem:s4+$0xFFFFFFF0]  }
0x33a: {  	v3 =	vld [tilespmem:s10+$0xFFFFFED0]  }
0x33b: {  	v6 =	vld [tilespmem:s10+$0xFFFFFF50]  }
0x33c: {  	v7 =	vld [tilespmem:s18+$0xFFFFFFF0]  }
0x33d: {  	v8 =	vld [tilespmem:s0+$0xFFFFFE50]  }
0x33e: {  	v9 =	vld [tilespmem:s0+$0xFFFFFED0]  }
0x33f: {  	v10 =	vld [tilespmem:s0+$0xFFFFFF50]  }
0x340: {  	[tilespmem:v1+s5+$0x0] =	vst.idx.add.f32.msk $0xffff, v5  }
0x341: {  	[tilespmem:v2+s5+$0x0] =	vst.idx.add.f32.msk $0xffff, v7  }
0x342: {  	v1 =	vld [tilespmem:s10+$0x0]  }
0x343: {  	[tilespmem:v4+s5+$0x0] =	vst.idx.add.f32.msk $0xffff, v8  }
0x344: {  	[tilespmem:v3+s5+$0x0] =	vst.idx.add.f32.msk $0xffff, v9  }
0x345: {  	v2 =	vld [tilespmem:s0+$0x0]  }
0x346: {  	[tilespmem:v6+s5+$0x0] =	vst.idx.add.f32.msk $0xffff, v10  }
0x347: {  	v3 =	vld [tilespmem:s4+$0xFFFFFE50]  }
0x348: {  	v4 =	vld [tilespmem:s4+$0xFFFFFED0]  }
0x349: {  	v5 =	vld [tilespmem:s4+$0xFFFFFF50]  }
0x34a: {  	[tilespmem:v1+s5+$0x0] =	vst.idx.add.f32.msk $0xffff, v2  }
0x34b: {  	v1 =	vld [tilespmem:s4+$0x0]  }
0x34c: {  	v2 =	vld [tilespmem:s18+$0xFFFFFE50]  }
0x34d: {  	v6 =	vld [tilespmem:s18+$0xFFFFFED0]  }
0x34e: {  	v7 =	vld [tilespmem:s18+$0x0]  }
0x34f: {  	v8 =	vld [tilespmem:s18+$0xFFFFFF50]  }
0x350: {  	v9 =	vld [tilespmem:s20+$0xFFFFFE80]  }
0x351: {  	[tilespmem:v3+s5+$0x0] =	vst.idx.add.f32.msk $0xffff, v2  }
0x352: {  	[tilespmem:v4+s5+$0x0] =	vst.idx.add.f32.msk $0xffff, v6  }
0x353: {  	[tilespmem:v1+s5+$0x0] =	vst.idx.add.f32.msk $0xffff, v7  }
0x354: {  	[tilespmem:v5+s5+$0x0] =	vst.idx.add.f32.msk $0xffff, v8  }
0x355: {  	v1 =	vld [tilespmem:s10+$0xFFFFFE60]  }
0x356: {  	v2 =	vld [tilespmem:s10+$0xFFFFFEE0]  }
0x357: {  	v3 =	vld [tilespmem:s10+$0xFFFFFF60]  }
0x358: {  	v4 =	vld [tilespmem:s0+$0xFFFFFE60]  }
0x359: {  	v5 =	vld [tilespmem:s0+$0xFFFFFEE0]  }
0x35a: {  	v6 =	vld [tilespmem:s0+$0xFFFFFF60]  }
0x35b: {  	v7 =	vld [tilespmem:s20+$0xFFFFFF00]  }
0x35c: {  	v8 =	vld [tilespmem:s20+$0xFFFFFF80];
	s20 =	smov.u32 s4  }
0x35d: {  	[tilespmem:v1+s5+$0x0] =	vst.idx.add.f32.msk $0xffff, v4  }
0x35e: {  	[tilespmem:v2+s5+$0x0] =	vst.idx.add.f32.msk $0xffff, v5  }
0x35f: {  	[tilespmem:v3+s5+$0x0] =	vst.idx.add.f32.msk $0xffff, v6  }
0x360: {  	v1 =	vld [tilespmem:s4+$0xFFFFFE60]  }
0x361: {  	v2 =	vld [tilespmem:s4+$0xFFFFFEE0]  }
0x362: {  	v3 =	vld [tilespmem:s4+$0xFFFFFF60]  }
0x363: {  	v4 =	vld [tilespmem:s18+$0xFFFFFE60]  }
0x364: {  	v5 =	vld [tilespmem:s18+$0xFFFFFEE0]  }
0x365: {  	v6 =	vld [tilespmem:s18+$0xFFFFFF60]  }
0x366: {  	v10 =	vld [tilespmem:s19+$0xFFFFFE80]  }
0x367: {  	v11 =	vld [tilespmem:s19+$0xFFFFFF00]  }
0x368: {  	[tilespmem:v1+s5+$0x0] =	vst.idx.add.f32.msk $0xffff, v4  }
0x369: {  	[tilespmem:v2+s5+$0x0] =	vst.idx.add.f32.msk $0xffff, v5  }
0x36a: {  	[tilespmem:v3+s5+$0x0] =	vst.idx.add.f32.msk $0xffff, v6  }
0x36b: {  	v1 =	vld [tilespmem:s10+$0xFFFFFE70]  }
0x36c: {  	v2 =	vld [tilespmem:s10+$0xFFFFFEF0]  }
0x36d: {  	v3 =	vld [tilespmem:s10+$0xFFFFFF70]  }
0x36e: {  	v4 =	vld [tilespmem:s0+$0xFFFFFE70]  }
0x36f: {  	v5 =	vld [tilespmem:s0+$0xFFFFFEF0]  }
0x370: {  	v6 =	vld [tilespmem:s0+$0xFFFFFF70]  }
0x371: {  	v12 =	vld [tilespmem:s19+$0xFFFFFF80];
	s19 =	smov.u32 s18  }
0x372: {  	[tilespmem:v9+s5+$0x0] =	vst.idx.add.f32.msk $0xffff, v10  }
0x373: {  	[tilespmem:v1+s5+$0x0] =	vst.idx.add.f32.msk $0xffff, v4  }
0x374: {  	[tilespmem:v2+s5+$0x0] =	vst.idx.add.f32.msk $0xffff, v5  }
0x375: {  	[tilespmem:v3+s5+$0x0] =	vst.idx.add.f32.msk $0xffff, v6  }
0x376: {  	v1 =	vld [tilespmem:s4+$0xFFFFFE70]  }
0x377: {  	v2 =	vld [tilespmem:s4+$0xFFFFFEF0]  }
0x378: {  	v3 =	vld [tilespmem:s4+$0xFFFFFF70]  }
0x379: {  	v4 =	vld [tilespmem:s18+$0xFFFFFE70]  }
0x37a: {  	v5 =	vld [tilespmem:s18+$0xFFFFFEF0]  }
0x37b: {  	v6 =	vld [tilespmem:s18+$0xFFFFFF70]  }
0x37c: {  	[tilespmem:v7+s5+$0x0] =	vst.idx.add.f32.msk $0xffff, v11  }
0x37d: {  	[tilespmem:v8+s5+$0x0] =	vst.idx.add.f32.msk $0xffff, v12  }
0x37e: {  	[tilespmem:v1+s5+$0x0] =	vst.idx.add.f32.msk $0xffff, v4  }
.Ltmp2:
0x37f: {  	[tilespmem:v2+s5+$0x0] =	vst.idx.add.f32.msk $0xffff, v5;
	(pc) =	sbr.rel @p0 .LBB2_7-.Ltmp2, $4  }
0x380: {  	[tilespmem:v3+s5+$0x0] =	vst.idx.add.f32.msk $0xffff, v6  }
0x381: {  	v3 =	vld [tilespmem:s10+$0xFFFFFE80]  }
0x382: {  	v2 =	vld [tilespmem:s10+$0xFFFFFF00]  }
0x383: {  	v1 =	vld [tilespmem:s10+$0xFFFFFF80];
	s10 =	sadd.s32 $0x200, s10  }
0x384: {  	_ = 	snop  }
0x385: {  	v4 =	vld [tilespmem:s9+$0xFFFFFE80]  }
0x386: {  	v5 =	vld [tilespmem:s9+$0xFFFFFF00]  }
0x387: {  	v6 =	vld [tilespmem:s9+$0xFFFFFF80];
	_ =	sdelay $0x2  }
0x388: {  	[tilespmem:v3+s5+$0x0] =	vst.idx.add.f32.msk $0xffff, v4  }
0x389: {  	[tilespmem:v2+s5+$0x0] =	vst.idx.add.f32.msk $0xffff, v5  }
0x38a: {  	[tilespmem:v1+s5+$0x0] =	vst.idx.add.f32.msk $0xffff, v6  }
0x38b: {  	v1 =	vld [tilespmem:s20+$0xFFFFFE80]  }
0x38c: {  	v2 =	vld [tilespmem:s20+$0xFFFFFF00]  }
0x38d: {  	v3 =	vld [tilespmem:s20+$0xFFFFFF80]  }
0x38e: {  	v4 =	vld [tilespmem:s19+$0xFFFFFE80]  }
0x38f: {  	v5 =	vld [tilespmem:s19+$0xFFFFFF00]  }
0x390: {  	v6 =	vld [tilespmem:s19+$0xFFFFFF80];
	_ =	sdelay $0x2  }
0x391: {  	[tilespmem:v1+s5+$0x0] =	vst.idx.add.f32.msk $0xffff, v4  }
0x392: {  	[tilespmem:v2+s5+$0x0] =	vst.idx.add.f32.msk $0xffff, v5  }
0x393: {  	[tilespmem:v3+s5+$0x0] =	vst.idx.add.f32.msk $0xffff, v6  }
0x394: {  	v1 =	vld [tilespmem:$0x10E00];
	_ =	sdelay $0x2  }
0x395: {  	v2 =	vld [tilespmem:$0xDC00];
	_ =	sdelay $0x4  }
0x396: {  	[tilespmem:v1+s5+$0x0] =	vst.idx.add.f32.msk $0xffff, v2  }
0x397: {  	v1 =	vld [tilespmem:$0x12700];
	_ =	sdelay $0x2  }
0x398: {  	v2 =	vld [tilespmem:$0xF500];
	_ =	sdelay $0x4  }
0x399: {  	[tilespmem:v1+s5+$0x0] =	vst.idx.add.f32.msk $0xffff, v2  }
0x39a: {  	v1 =	vld [tilespmem:$0x10E10];
	_ =	sdelay $0x2  }
0x39b: {  	v2 =	vld [tilespmem:$0xDC10];
	_ =	sdelay $0x4  }
0x39c: {  	[tilespmem:v1+s5+$0x0] =	vst.idx.add.f32.msk $0xffff, v2  }
0x39d: {  	v1 =	vld [tilespmem:$0x12710];
	_ =	sdelay $0x2  }
0x39e: {  	v2 =	vld [tilespmem:$0xF510];
	_ =	sdelay $0x4  }
0x39f: {  	[tilespmem:v1+s5+$0x0] =	vst.idx.add.f32.msk $0xffff, v2  }
0x3a0: {  	v1 =	vld [tilespmem:$0x10E20];
	_ =	sdelay $0x2  }
0x3a1: {  	v2 =	vld [tilespmem:$0xDC20];
	_ =	sdelay $0x4  }
0x3a2: {  	[tilespmem:v1+s5+$0x0] =	vst.idx.add.f32.msk $0xffff, v2  }
0x3a3: {  	v1 =	vld [tilespmem:$0x12720];
	_ =	sdelay $0x2  }
0x3a4: {  	v2 =	vld [tilespmem:$0xF520];
	_ =	sdelay $0x4  }
0x3a5: {  	[tilespmem:v1+s5+$0x0] =	vst.idx.add.f32.msk $0xffff, v2  }
0x3a6: {  	v1 =	vld [tilespmem:$0x10E30];
	_ =	sdelay $0x2  }
0x3a7: {  	v2 =	vld [tilespmem:$0xDC30];
	_ =	sdelay $0x4  }
0x3a8: {  	[tilespmem:v1+s5+$0x0] =	vst.idx.add.f32.msk $0xffff, v2  }
0x3a9: {  	v1 =	vld [tilespmem:$0x12730];
	_ =	sdelay $0x2  }
0x3aa: {  	v2 =	vld [tilespmem:$0xF530];
	_ =	sdelay $0x4  }
0x3ab: {  	[tilespmem:v1+s5+$0x0] =	vst.idx.add.f32.msk $0xffff, v2  }
0x3ac: {  	v1 =	vld [tilespmem:$0x10E40];
	_ =	sdelay $0x2  }
0x3ad: {  	v2 =	vld [tilespmem:$0xDC40];
	_ =	sdelay $0x4  }
0x3ae: {  	[tilespmem:v1+s5+$0x0] =	vst.idx.add.f32.msk $0xffff, v2  }
0x3af: {  	v1 =	vld [tilespmem:$0x12740];
	_ =	sdelay $0x2  }
0x3b0: {  	v2 =	vld [tilespmem:$0xF540];
	_ =	sdelay $0x4  }
0x3b1: {  	[tilespmem:v1+s5+$0x0] =	vst.idx.add.f32.msk $0xffff, v2  }
0x3b2: {  	v1 =	vld [tilespmem:$0x10E50];
	_ =	sdelay $0x2  }
0x3b3: {  	v2 =	vld [tilespmem:$0xDC50];
	_ =	sdelay $0x4  }
0x3b4: {  	[tilespmem:v1+s5+$0x0] =	vst.idx.add.f32.msk $0xffff, v2  }
0x3b5: {  	v1 =	vld [tilespmem:$0x12750];
	_ =	sdelay $0x2  }
0x3b6: {  	v2 =	vld [tilespmem:$0xF550];
	_ =	sdelay $0x4  }
0x3b7: {  	[tilespmem:v1+s5+$0x0] =	vst.idx.add.f32.msk $0xffff, v2  }
0x3b8: {  	v1 =	vld [tilespmem:$0x10E60];
	_ =	sdelay $0x2  }
0x3b9: {  	v2 =	vld [tilespmem:$0xDC60];
	_ =	sdelay $0x4  }
0x3ba: {  	[tilespmem:v1+s5+$0x0] =	vst.idx.add.f32.msk $0xffff, v2  }
0x3bb: {  	v1 =	vld [tilespmem:$0x12760];
	_ =	sdelay $0x2  }
0x3bc: {  	v2 =	vld [tilespmem:$0xF560];
	_ =	sdelay $0x4  }
0x3bd: {  	[tilespmem:v1+s5+$0x0] =	vst.idx.add.f32.msk $0xffff, v2  }
0x3be: {  	v1 =	vld [tilespmem:$0x10E70];
	_ =	sdelay $0x2  }
0x3bf: {  	v2 =	vld [tilespmem:$0xDC70];
	_ =	sdelay $0x4  }
0x3c0: {  	[tilespmem:v1+s5+$0x0] =	vst.idx.add.f32.msk $0xffff, v2  }
0x3c1: {  	v1 =	vld [tilespmem:$0x12770];
	_ =	sdelay $0x1  }
0x3c2: {  	s31 =	sadd.s32 $0x1, s31  }
0x3c3: {  	p0 =	sne.s32 s31, $0x7D;
	v2 =	vld [tilespmem:$0xF570]  }
.Ltmp3:
0x3c4: {  	_ = 	snop;
	(pc) =	sbr.rel @p0 .LBB2_4-.Ltmp3, $2  }
0x3c5: {  	_ =	sdelay $0x2  }
0x3c6: {  	[tilespmem:v1+s5+$0x0] =	vst.idx.add.f32.msk $0xffff, v2  }
0x3c7: {  	s30 =	sadd.s32 $0x1, s30  }
0x3c8: {  	p0 =	sne.s32 s30, s15  }
.Ltmp4:
0x3c9: {  	_ = 	snop;
	(pc) =	sbr.rel @p0 .LBB2_1-.Ltmp4, $4  }
0x3ca: {  	[hbm4b:s14+s5] =	stream.linear.scatter [tilespmem:s5], [sflag:$0x3], $0xC380, $0x38;
	[tilespmem:$0x12780] =	vst v63  }
0x3cb: {  	_ =	swait.ge [sflag:s29], $0xC380  }
0x3cc: {  	[sflag:s29] =	ssyncset.done $0x0  }
0x3cd: {  	[sflag:s29] =	ssyncadd.s32 $0xFFFF3C80  }
0x3ce: {  	_ =	sfence.sel $0x180000  }
0x3cf: {  	[bflag:$0x0] =	sbarrier.arrive $0xFFFF  }
0x3d0: {  	_ =	strace $0x90000047  }
0x3d1: {  	s0 =	stileid.u32;
	[bflag:$0x2] =	sbarrier.arrive $0xFFFF  }
0x3d2: {  	p0 =	sne.s32 s0, $0x0;
	s0 =	rddreg [dreg:$0x4]  }
0x3d3: {  	s0 =	sadd.s32 @!p0 $0x100000, s0  }
0x3d4: {  	[sflag:s0] =	ssyncadd.tile.s32 @!p0 $0x1;
	_ =	shalt  }
.Lfunc_end2:
_tile_overlayer_lowered:
.L_overlay_start_2:
0x3d5: {  	(tag) =	ssettag $0x2  }
0x3d6: {  	s0 =	rddreg [dreg:$0x0];
	s2 =	stileid.u32  }
0x3d7: {  	s1 =	rddreg [dreg:$0x1];
	p0 =	sne.s32 s2, $0x0  }
0x3d8: {  	s3 =	rddreg [dreg:$0x2];
	[bflag:$0x3] =	sbarrier.arrive $0xFFFF;
	s2 =	simm.s32 @!p0 $0x1C03  }
0x3d9: {  	[timem:s3], [sflag:s2] =	dma.local @!p0 [hbm:s0], s1  }
0x3da: {  	s0 =	simm.s32 @!p0 $0x3  }
0x3db: {  	_ =	swait.ge @!p0 [sflag:s0], s1  }
0x3dc: {  	s1 =	ssub.s32 @!p0 $0x0, s1;
	[sflag:s0] =	ssyncset.done @!p0 $0x0  }
0x3dd: {  	[sflag:s0] =	ssyncadd.s32 @!p0 s1  }
0x3de: {  	[bflag:$0x3] =	sbarrier.arrive $0xFFFF  }
0x3df: {  	_ =	shalt  }

</sc_bundles>
